<compile_context>
chip_gen: v7x
topology: tpu7x:2x2x1
jax: 0.10.2.dev20260603
libtpu: 0.0.44.dev20260713+nightly
codegen_flags: <defaults>
</compile_context>

<pallas_src>
import functools

import jax
import jax.numpy as jnp
from jax import lax
from jax.experimental import pallas as pl
from jax.experimental.pallas import tpu as pltpu
from jax.experimental.pallas import tpu_sc as plsc

_N = 10000
_E = 320000
_D = 128
_H = 128
_HH = _H // 2
_K = 4
_CLS = 8

_NC = 2
_NS = 16
_C = 125
_EPT = _E // _NS
_CH = _EPT // _C
_NP = 10240
_RPT = _NP // _NS
_ROWS_TOTAL = _E // _C


def _pre_tc(x, W_pre, b_pre):
    def body(x_ref, w_ref, b_ref, o_ref):
        h = jnp.dot(x_ref[...], w_ref[...],
                    preferred_element_type=jnp.float32) + b_ref[...]
        o_ref[:_N, :] = h[:, :_HH]
        o_ref[_N:, :] = h[:, _HH:]

    return pl.pallas_call(
        body,
        out_shape=jax.ShapeDtypeStruct((2 * _N, _HH), jnp.float32),
    )(x, W_pre, b_pre.reshape(1, _H))


def _sc_agg(hstack, srcx, dst2, zD, z1, o1):
    mesh = plsc.VectorSubcoreMesh(core_axis_name="c", subcore_axis_name="s")

    @functools.partial(
        pl.kernel,
        out_type=(jax.ShapeDtypeStruct((2 * _NP, _HH), jnp.float32),
                  jax.ShapeDtypeStruct((2 * _NP, 16), jnp.float32)),
        mesh=mesh,
        compiler_params=pltpu.CompilerParams(use_tc_tiling_on_sc=False),
        scratch_types=[
            pltpu.VMEM((_CH, _C), jnp.int32),
            pltpu.VMEM((_CH, _C), jnp.int32),
            pltpu.VMEM((_C, _HH), jnp.float32),
            pltpu.VMEM((_C, _HH), jnp.float32),
            pltpu.VMEM((_C, _HH), jnp.float32),
            pltpu.VMEM((_C, _HH), jnp.float32),
            pltpu.VMEM((_C, 16), jnp.float32),
            pltpu.VMEM_SHARED((_NP, _HH), jnp.float32),
            pltpu.VMEM_SHARED((_NP, 16), jnp.float32),
            [pltpu.SemaphoreType.DMA] * 4,
            [pltpu.SemaphoreType.DMA] * 4,
            pltpu.SemaphoreType.DMA,
        ],
    )
    def body(h_hbm, src_hbm, dst_hbm, zD_hbm, z1_hbm, o1_hbm,
             agg_hbm, deg_hbm,
             src_v, dst_v, rows0_v, rows1_v, rows2_v, rows3_v, ones_v,
             agg_sh, deg_sh, gsems, ssems, dsem):
        c = lax.axis_index("c")
        s = lax.axis_index("s")

        pltpu.sync_copy(zD_hbm, agg_sh.at[pl.ds(s * _RPT, _RPT)])
        pltpu.sync_copy(z1_hbm, deg_sh.at[pl.ds(s * _RPT, _RPT)])
        pltpu.sync_copy(o1_hbm, ones_v)
        pltpu.sync_copy(src_hbm.at[pl.ds(c * _ROWS_TOTAL + s * _CH, _CH)],
                        src_v)
        pltpu.sync_copy(dst_hbm.at[pl.ds(s * _CH, _CH)], dst_v)
        plsc.subcore_barrier()

        rows = [rows0_v, rows1_v, rows2_v, rows3_v]

        def step(j, b):
            rows_b = rows[b]
            pltpu.make_async_copy(h_hbm.at[src_v.at[j]], rows_b,
                                  gsems[b]).wait()
            pltpu.async_copy(rows_b, agg_sh.at[dst_v.at[j]], ssems[b],
                             add=True)

            @pl.when((j >= c * (_CH // 2)) & (j < (c + 1) * (_CH // 2)))
            def _():
                pltpu.async_copy(ones_v, deg_sh.at[dst_v.at[j]], dsem,
                                 add=True)

            b2 = (b + 2) % 4

            @pl.when((j >= 2) & (j + 2 < _CH))
            def _():
                pltpu.make_async_copy(rows[b2], agg_sh.at[dst_v.at[0]],
                                      ssems[b2]).wait()

            @pl.when(j + 2 < _CH)
            def _():
                pltpu.async_copy(h_hbm.at[src_v.at[j + 2]], rows[b2],
                                 gsems[b2])

        def chunk_quad(i, carry):
            for b in range(4):
                step(4 * i + b, b)
            return carry

        pltpu.async_copy(h_hbm.at[src_v.at[0]], rows0_v, gsems[0])
        pltpu.async_copy(h_hbm.at[src_v.at[1]], rows1_v, gsems[1])
        lax.fori_loop(0, _CH // 4, chunk_quad, 0)

        for b in range(4):
            pltpu.make_async_copy(rows[b], agg_sh.at[dst_v.at[0]],
                                  ssems[b]).wait()

        def drain_deg(i, carry):
            pltpu.make_async_copy(ones_v, deg_sh.at[dst_v.at[0]],
                                  dsem).wait()
            return carry

        lax.fori_loop(0, _CH // 2, drain_deg, 0)
        plsc.subcore_barrier()

        base = c * _NP + s * _RPT
        pltpu.sync_copy(agg_sh.at[pl.ds(s * _RPT, _RPT)],
                        agg_hbm.at[pl.ds(base, _RPT)])
        pltpu.sync_copy(deg_sh.at[pl.ds(s * _RPT, _RPT)],
                        deg_hbm.at[pl.ds(base, _RPT)])

    return body(hstack, srcx, dst2, zD, z1, o1)


def _post_tc(agg2, deg2, cid, W_ops, alphas, W_out):
    def body(a_ref, d_ref, c_ref, w_ref, al_ref, wo_ref, o_ref):
        deg = jnp.maximum(d_ref[:_N, 0:1] + d_ref[_NP:_NP + _N, 0:1], 1.0)
        agg = jnp.concatenate(
            [a_ref[:_N, :], a_ref[_NP:_NP + _N, :]], axis=1) / deg
        cid = c_ref[...]
        res = jnp.zeros((_N, _H), jnp.float32)
        for k in range(_K):
            hk = jnp.dot(agg, w_ref[k], preferred_element_type=jnp.float32)
            mask = (cid == k).astype(jnp.float32)
            res = res + al_ref[0, k] * (mask * hk)
        o_ref[...] = jnp.dot(res, wo_ref[...],
                             preferred_element_type=jnp.float32)

    return pl.pallas_call(
        body,
        out_shape=jax.ShapeDtypeStruct((_N, _CLS), jnp.float32),
    )(agg2, deg2, cid, W_ops, alphas.reshape(1, _K), W_out)


def kernel(x, edge_index, cluster_ids, W_pre, b_pre, W_ops, alphas, W_out):
    x = x.astype(jnp.float32)
    ei = edge_index.astype(jnp.int32)
    src2 = ei[0].reshape(_ROWS_TOTAL, _C)
    srcx = jnp.concatenate([src2, src2 + _N], axis=0)
    dst2 = ei[1].reshape(_ROWS_TOTAL, _C)
    cid = cluster_ids.astype(jnp.int32).reshape(_N, 1)
    zD = jnp.zeros((_RPT, _HH), jnp.float32)
    z1 = jnp.zeros((_RPT, 16), jnp.float32)
    o1 = jnp.ones((_C, 16), jnp.float32)

    hstack = _pre_tc(x, W_pre, b_pre)
    agg2, deg2 = _sc_agg(hstack, srcx, dst2, zD, z1, o1)
    return _post_tc(agg2, deg2, cid, W_ops, alphas, W_out)

# --- scband reference (transcript-rebuilt; emitter-appended) ---
"""Pipeline reference for scband-network-nasp-10496900072255 (READ-ONLY COPY).

The authoritative reference and input builder live on the scoring server;
editing this copy changes nothing except your own understanding.
"""

import jax, jax.numpy as jnp
import numpy as np

N_NODES = 10000
N_EDGES = 320000
D_FEAT = 128
HIDDEN = 128
N_CLASSES = 8
N_CLUSTERS = 4


def setup_inputs(seed: int = 0) -> dict:
    key = jax.random.key(seed)
    ks = jax.random.split(key, 10)
    x = jax.random.normal(ks[0], (N_NODES, D_FEAT), dtype=jnp.float32)
    edge_index = jax.random.randint(ks[1], (2, N_EDGES), 0, N_NODES, dtype=jnp.int64)
    cluster_ids = jax.random.randint(ks[2], (N_NODES,), 0, N_CLUSTERS, dtype=jnp.int64)
    # learned parameters
    W_pre = jax.random.normal(ks[3], (D_FEAT, HIDDEN), dtype=jnp.float32) * (1.414 / np.sqrt(D_FEAT))
    b_pre = jnp.zeros((HIDDEN,), dtype=jnp.float32)
    W_ops = jax.random.normal(ks[4], (N_CLUSTERS, HIDDEN, HIDDEN), dtype=jnp.float32) * (1.414 / np.sqrt(HIDDEN))
    alphas = jnp.ones((N_CLUSTERS,), dtype=jnp.float32) * 0.5
    W_out = jax.random.normal(ks[5], (HIDDEN, N_CLASSES), dtype=jnp.float32) * (1.0 / np.sqrt(HIDDEN))
    return {"x": x, "edge_index": edge_index, "cluster_ids": cluster_ids,
            "W_pre": W_pre, "b_pre": b_pre, "W_ops": W_ops, "alphas": alphas, "W_out": W_out}


def reference(x, edge_index, cluster_ids, W_pre, b_pre, W_ops, alphas, W_out):
    # preprocess: nn.Linear(initial_dim, hidden_dim)
    h = x @ W_pre + b_pre
    src = edge_index[0]
    dst = edge_index[1]
    # degree-normalized message passing (GCN-style op inside MixedOp)
    deg = jnp.zeros((x.shape[0],), dtype=h.dtype).at[dst].add(1.0)
    deg = jnp.maximum(deg, 1.0)
    msgs = jnp.take(h, src, axis=0)                      # gather over edges
    agg = jax.ops.segment_sum(msgs, dst, num_segments=x.shape[0])  # scatter-add
    agg = agg / deg[:, None]
    # per-cluster MixedOp: alpha_k * spmm(cluster_mask_k, op(g, h))
    # cluster_mask_k is a diagonal 0/1 sparse matrix -> row masking
    res = jnp.zeros_like(h)
    for k in range(N_CLUSTERS):
        hk = agg @ W_ops[k]
        mask = (cluster_ids == k).astype(h.dtype)[:, None]
        res = res + alphas[k] * (mask * hk)
    logits = res @ W_out
    return logits

if __name__ == "__main__":
    import jax
    _d = setup_inputs()
    print(jax.jit(kernel)(*tuple(_d.values())))

</pallas_src>

<mosaic_0001>
#map = affine_map<(d0, d1) -> (0, 0)>
module attributes {stable_mosaic.version = 14 : i64} {
  func.func @body(%arg0: i32, %arg1: i32, %arg2: memref<20000x64xf32, #tpu.memory_space<hbm>>, %arg3: memref<5120x125xi32, #tpu.memory_space<hbm>>, %arg4: memref<2560x125xi32, #tpu.memory_space<hbm>>, %arg5: memref<640x64xf32, #tpu.memory_space<hbm>>, %arg6: memref<640x16xf32, #tpu.memory_space<hbm>>, %arg7: memref<125x16xf32, #tpu.memory_space<hbm>>, %arg8: memref<20480x64xf32, #tpu.memory_space<hbm>>, %arg9: memref<20480x16xf32, #tpu.memory_space<hbm>>, %arg10: memref<160x125xi32, #tpu.memory_space<vmem>>, %arg11: memref<160x125xi32, #tpu.memory_space<vmem>>, %arg12: memref<125x64xf32, #tpu.memory_space<vmem>>, %arg13: memref<125x64xf32, #tpu.memory_space<vmem>>, %arg14: memref<125x64xf32, #tpu.memory_space<vmem>>, %arg15: memref<125x64xf32, #tpu.memory_space<vmem>>, %arg16: memref<125x16xf32, #tpu.memory_space<vmem>>, %arg17: memref<10240x64xf32, #tpu.memory_space<vmem_shared>>, %arg18: memref<10240x16xf32, #tpu.memory_space<vmem_shared>>, %arg19: memref<!tpu.dma_semaphore, #tpu.memory_space<semaphore_mem>>, %arg20: memref<!tpu.dma_semaphore, #tpu.memory_space<semaphore_mem>>, %arg21: memref<!tpu.dma_semaphore, #tpu.memory_space<semaphore_mem>>, %arg22: memref<!tpu.dma_semaphore, #tpu.memory_space<semaphore_mem>>, %arg23: memref<!tpu.dma_semaphore, #tpu.memory_space<semaphore_mem>>, %arg24: memref<!tpu.dma_semaphore, #tpu.memory_space<semaphore_mem>>, %arg25: memref<!tpu.dma_semaphore, #tpu.memory_space<semaphore_mem>>, %arg26: memref<!tpu.dma_semaphore, #tpu.memory_space<semaphore_mem>>, %arg27: memref<!tpu.dma_semaphore, #tpu.memory_space<semaphore_mem>>) attributes {dimension_semantics = [#tpu.dimension_semantics<core_parallel>, #tpu.dimension_semantics<subcore_parallel>], iteration_bounds = array<i64: 2, 16>, scalar_prefetch = 0 : i64, scratch_operands = 18 : i64, tpu.core_type = #tpu.core_type<sc_vector_subcore>, window_params = [{transform_indices = #map}, {transform_indices = #map}, {transform_indices = #map}, {transform_indices = #map}, {transform_indices = #map}, {transform_indices = #map}, {transform_indices = #map}, {transform_indices = #map}]} {
    %mul3A = arith.constant 640 : i32
    %mul3A_0 = arith.muli %arg1, %mul3A : i32
    "tpu.region"() ({
      %run_scoped3A = tpu.sem_alloc : memref<!tpu.dma_semaphore, #tpu.memory_space<semaphore_mem>>
      %dma_start3A_70 = arith.constant 0 : i32
      %dma_start3A_71 = tpu.memref_slice %arg17[%mul3A_0, %dma_start3A_70] : memref<10240x64xf32, #tpu.memory_space<vmem_shared>> -> memref<640x64xf32, #tpu.memory_space<vmem_shared>>
      tpu.enqueue_dma source(%arg5 : memref<640x64xf32, #tpu.memory_space<hbm>>) target(%dma_start3A_71 : memref<640x64xf32, #tpu.memory_space<vmem_shared>>) target_semaphore(%run_scoped3A : memref<!tpu.dma_semaphore, #tpu.memory_space<semaphore_mem>>)
      %dma_wait3A_72 = arith.constant 0 : i32
      %dma_wait3A_73 = tpu.memref_slice %arg17[%mul3A_0, %dma_wait3A_72] : memref<10240x64xf32, #tpu.memory_space<vmem_shared>> -> memref<640x64xf32, #tpu.memory_space<vmem_shared>>
      tpu.wait_dma2 semaphore(%run_scoped3A : memref<!tpu.dma_semaphore, #tpu.memory_space<semaphore_mem>>) src(%arg5 : memref<640x64xf32, #tpu.memory_space<hbm>>) dst(%dma_wait3A_73 : memref<640x64xf32, #tpu.memory_space<vmem_shared>>)
      tpu.yield
    }) : () -> ()
    %mul3A_1 = arith.constant 640 : i32
    %mul3A_2 = arith.muli %arg1, %mul3A_1 : i32
    "tpu.region"() ({
      %run_scoped3A = tpu.sem_alloc : memref<!tpu.dma_semaphore, #tpu.memory_space<semaphore_mem>>
      %dma_start3A_70 = arith.constant 0 : i32
      %dma_start3A_71 = tpu.memref_slice %arg18[%mul3A_2, %dma_start3A_70] : memref<10240x16xf32, #tpu.memory_space<vmem_shared>> -> memref<640x16xf32, #tpu.memory_space<vmem_shared>>
      tpu.enqueue_dma source(%arg6 : memref<640x16xf32, #tpu.memory_space<hbm>>) target(%dma_start3A_71 : memref<640x16xf32, #tpu.memory_space<vmem_shared>>) target_semaphore(%run_scoped3A : memref<!tpu.dma_semaphore, #tpu.memory_space<semaphore_mem>>)
      %dma_wait3A_72 = arith.constant 0 : i32
      %dma_wait3A_73 = tpu.memref_slice %arg18[%mul3A_2, %dma_wait3A_72] : memref<10240x16xf32, #tpu.memory_space<vmem_shared>> -> memref<640x16xf32, #tpu.memory_space<vmem_shared>>
      tpu.wait_dma2 semaphore(%run_scoped3A : memref<!tpu.dma_semaphore, #tpu.memory_space<semaphore_mem>>) src(%arg6 : memref<640x16xf32, #tpu.memory_space<hbm>>) dst(%dma_wait3A_73 : memref<640x16xf32, #tpu.memory_space<vmem_shared>>)
      tpu.yield
    }) : () -> ()
    "tpu.region"() ({
      %run_scoped3A = tpu.sem_alloc : memref<!tpu.dma_semaphore, #tpu.memory_space<semaphore_mem>>
      tpu.enqueue_dma source(%arg7 : memref<125x16xf32, #tpu.memory_space<hbm>>) target(%arg16 : memref<125x16xf32, #tpu.memory_space<vmem>>) target_semaphore(%run_scoped3A : memref<!tpu.dma_semaphore, #tpu.memory_space<semaphore_mem>>)
      tpu.wait_dma2 semaphore(%run_scoped3A : memref<!tpu.dma_semaphore, #tpu.memory_space<semaphore_mem>>) src(%arg7 : memref<125x16xf32, #tpu.memory_space<hbm>>) dst(%arg16 : memref<125x16xf32, #tpu.memory_space<vmem>>)
      tpu.yield
    }) : () -> ()
    %mul3A_3 = arith.constant 2560 : i32
    %mul3A_4 = arith.muli %arg0, %mul3A_3 : i32
    %mul3A_5 = arith.constant 160 : i32
    %mul3A_6 = arith.muli %arg1, %mul3A_5 : i32
    %add3A = arith.addi %mul3A_4, %mul3A_6 : i32
    "tpu.region"() ({
      %run_scoped3A = tpu.sem_alloc : memref<!tpu.dma_semaphore, #tpu.memory_space<semaphore_mem>>
      %dma_start3A_70 = arith.constant 0 : i32
      %dma_start3A_71 = tpu.memref_slice %arg3[%add3A, %dma_start3A_70] : memref<5120x125xi32, #tpu.memory_space<hbm>> -> memref<160x125xi32, #tpu.memory_space<hbm>>
      %dma_start3A_72 = arith.constant 0 : i32
      %dma_start3A_73 = tpu.memref_slice %arg3[%add3A, %dma_start3A_72] : memref<5120x125xi32, #tpu.memory_space<hbm>> -> memref<160x125xi32, #tpu.memory_space<hbm>>
      tpu.enqueue_dma source(%dma_start3A_73 : memref<160x125xi32, #tpu.memory_space<hbm>>) target(%arg10 : memref<160x125xi32, #tpu.memory_space<vmem>>) target_semaphore(%run_scoped3A : memref<!tpu.dma_semaphore, #tpu.memory_space<semaphore_mem>>)
      %dma_wait3A_74 = arith.constant 0 : i32
      %dma_wait3A_75 = tpu.memref_slice %arg3[%add3A, %dma_wait3A_74] : memref<5120x125xi32, #tpu.memory_space<hbm>> -> memref<160x125xi32, #tpu.memory_space<hbm>>
      %dma_wait3A_76 = arith.constant 0 : i32
      %dma_wait3A_77 = tpu.memref_slice %arg3[%add3A, %dma_wait3A_76] : memref<5120x125xi32, #tpu.memory_space<hbm>> -> memref<160x125xi32, #tpu.memory_space<hbm>>
      tpu.wait_dma2 semaphore(%run_scoped3A : memref<!tpu.dma_semaphore, #tpu.memory_space<semaphore_mem>>) src(%dma_wait3A_77 : memref<160x125xi32, #tpu.memory_space<hbm>>) dst(%arg10 : memref<160x125xi32, #tpu.memory_space<vmem>>)
      tpu.yield
    }) : () -> ()
    %mul3A_7 = arith.constant 160 : i32
    %mul3A_8 = arith.muli %arg1, %mul3A_7 : i32
    "tpu.region"() ({
      %run_scoped3A = tpu.sem_alloc : memref<!tpu.dma_semaphore, #tpu.memory_space<semaphore_mem>>
      %dma_start3A_70 = arith.constant 0 : i32
      %dma_start3A_71 = tpu.memref_slice %arg4[%mul3A_8, %dma_start3A_70] : memref<2560x125xi32, #tpu.memory_space<hbm>> -> memref<160x125xi32, #tpu.memory_space<hbm>>
      %dma_start3A_72 = arith.constant 0 : i32
      %dma_start3A_73 = tpu.memref_slice %arg4[%mul3A_8, %dma_start3A_72] : memref<2560x125xi32, #tpu.memory_space<hbm>> -> memref<160x125xi32, #tpu.memory_space<hbm>>
      tpu.enqueue_dma source(%dma_start3A_73 : memref<160x125xi32, #tpu.memory_space<hbm>>) target(%arg11 : memref<160x125xi32, #tpu.memory_space<vmem>>) target_semaphore(%run_scoped3A : memref<!tpu.dma_semaphore, #tpu.memory_space<semaphore_mem>>)
      %dma_wait3A_74 = arith.constant 0 : i32
      %dma_wait3A_75 = tpu.memref_slice %arg4[%mul3A_8, %dma_wait3A_74] : memref<2560x125xi32, #tpu.memory_space<hbm>> -> memref<160x125xi32, #tpu.memory_space<hbm>>
      %dma_wait3A_76 = arith.constant 0 : i32
      %dma_wait3A_77 = tpu.memref_slice %arg4[%mul3A_8, %dma_wait3A_76] : memref<2560x125xi32, #tpu.memory_space<hbm>> -> memref<160x125xi32, #tpu.memory_space<hbm>>
      tpu.wait_dma2 semaphore(%run_scoped3A : memref<!tpu.dma_semaphore, #tpu.memory_space<semaphore_mem>>) src(%dma_wait3A_77 : memref<160x125xi32, #tpu.memory_space<hbm>>) dst(%arg11 : memref<160x125xi32, #tpu.memory_space<vmem>>)
      tpu.yield
    }) : () -> ()
    %barrier3A = arith.constant 0 : index
    tpu.barrier barrier_id(%barrier3A)
    %dma_start3A = arith.constant 0 : i32
    %dma_start3A_9 = arith.constant 0 : i32
    %dma_start3A_10 = tpu.memref_slice %arg10[%dma_start3A, %dma_start3A_9] : memref<160x125xi32, #tpu.memory_space<vmem>> -> memref<1x125xi32, #tpu.memory_space<vmem>>
    %dma_start3A_11 = tpu.memref_squeeze %dma_start3A_10 : memref<1x125xi32, #tpu.memory_space<vmem>> -> memref<125xi32, #tpu.memory_space<vmem>>
    %dma_start3A_12 = arith.constant 0 : i32
    %dma_start3A_13 = arith.constant 0 : i32
    %dma_start3A_14 = tpu.memref_slice %arg2[%dma_start3A_12, %dma_start3A_13] : memref<20000x64xf32, #tpu.memory_space<hbm>> -> memref<20000x64xf32, #tpu.memory_space<hbm>>
    tpu.enqueue_indirect_dma source(%dma_start3A_14 : memref<20000x64xf32, #tpu.memory_space<hbm>>) target(%arg12 : memref<125x64xf32, #tpu.memory_space<vmem>>) offsets(%dma_start3A_11 : memref<125xi32, #tpu.memory_space<vmem>>) semaphore(%arg19 : memref<!tpu.dma_semaphore, #tpu.memory_space<semaphore_mem>>)
    %dma_start3A_15 = arith.constant 1 : i32
    %dma_start3A_16 = arith.constant 0 : i32
    %dma_start3A_17 = tpu.memref_slice %arg10[%dma_start3A_15, %dma_start3A_16] : memref<160x125xi32, #tpu.memory_space<vmem>> -> memref<1x125xi32, #tpu.memory_space<vmem>>
    %dma_start3A_18 = tpu.memref_squeeze %dma_start3A_17 : memref<1x125xi32, #tpu.memory_space<vmem>> -> memref<125xi32, #tpu.memory_space<vmem>>
    %dma_start3A_19 = arith.constant 0 : i32
    %dma_start3A_20 = arith.constant 0 : i32
    %dma_start3A_21 = tpu.memref_slice %arg2[%dma_start3A_19, %dma_start3A_20] : memref<20000x64xf32, #tpu.memory_space<hbm>> -> memref<20000x64xf32, #tpu.memory_space<hbm>>
    tpu.enqueue_indirect_dma source(%dma_start3A_21 : memref<20000x64xf32, #tpu.memory_space<hbm>>) target(%arg13 : memref<125x64xf32, #tpu.memory_space<vmem>>) offsets(%dma_start3A_18 : memref<125xi32, #tpu.memory_space<vmem>>) semaphore(%arg20 : memref<!tpu.dma_semaphore, #tpu.memory_space<semaphore_mem>>)
    %scan3A = arith.constant 0 : i32
    %scan3A_22 = arith.constant 0 : i32
    %scan3A_23 = arith.constant 40 : i32
    %scan3A_24 = arith.addi %scan3A_22, %scan3A_23 : i32
    %scan3A_25 = arith.constant 1 : i32
    scf.for %scan3A_70 = %scan3A_22 to %scan3A_24 step %scan3A_25  : i32 {
      %mul3A_71 = arith.constant 4 : i32
      %mul3A_72 = arith.muli %mul3A_71, %scan3A_70 : i32
      %add3A_73 = arith.constant 0 : i32
      %add3A_74 = arith.addi %mul3A_72, %add3A_73 : i32
      %dma_wait3A_75 = arith.constant 0 : i32
      %dma_wait3A_76 = tpu.memref_slice %arg10[%add3A_74, %dma_wait3A_75] : memref<160x125xi32, #tpu.memory_space<vmem>> -> memref<1x125xi32, #tpu.memory_space<vmem>>
      %dma_wait3A_77 = tpu.memref_squeeze %dma_wait3A_76 : memref<1x125xi32, #tpu.memory_space<vmem>> -> memref<125xi32, #tpu.memory_space<vmem>>
      %dma_wait3A_78 = arith.constant 0 : i32
      %dma_wait3A_79 = arith.constant 0 : i32
      %dma_wait3A_80 = tpu.memref_slice %arg2[%dma_wait3A_78, %dma_wait3A_79] : memref<20000x64xf32, #tpu.memory_space<hbm>> -> memref<20000x64xf32, #tpu.memory_space<hbm>>
      tpu.wait_indirect_dma semaphore(%arg19 : memref<!tpu.dma_semaphore, #tpu.memory_space<semaphore_mem>>) src(%dma_wait3A_80 : memref<20000x64xf32, #tpu.memory_space<hbm>>) dst(%arg12 : memref<125x64xf32, #tpu.memory_space<vmem>>)
      %dma_start3A_81 = arith.constant 0 : i32
      %dma_start3A_82 = tpu.memref_slice %arg11[%add3A_74, %dma_start3A_81] : memref<160x125xi32, #tpu.memory_space<vmem>> -> memref<1x125xi32, #tpu.memory_space<vmem>>
      %dma_start3A_83 = tpu.memref_squeeze %dma_start3A_82 : memref<1x125xi32, #tpu.memory_space<vmem>> -> memref<125xi32, #tpu.memory_space<vmem>>
      %dma_start3A_84 = arith.constant 0 : i32
      %dma_start3A_85 = arith.constant 0 : i32
      %dma_start3A_86 = tpu.memref_slice %arg17[%dma_start3A_84, %dma_start3A_85] : memref<10240x64xf32, #tpu.memory_space<vmem_shared>> -> memref<10240x64xf32, #tpu.memory_space<vmem_shared>>
      tpu.enqueue_indirect_dma source(%arg12 : memref<125x64xf32, #tpu.memory_space<vmem>>) target(%dma_start3A_86 : memref<10240x64xf32, #tpu.memory_space<vmem_shared>>) offsets(%dma_start3A_83 : memref<125xi32, #tpu.memory_space<vmem>>) semaphore(%arg23 : memref<!tpu.dma_semaphore, #tpu.memory_space<semaphore_mem>>) {add = true}
      %mul3A_87 = arith.constant 80 : i32
      %mul3A_88 = arith.muli %arg0, %mul3A_87 : i32
      %ge3A = arith.cmpi sge, %add3A_74, %mul3A_88 : i32
      %add3A_89 = arith.constant 1 : i32
      %add3A_90 = arith.addi %arg0, %add3A_89 : i32
      %mul3A_91 = arith.constant 80 : i32
      %mul3A_92 = arith.muli %add3A_90, %mul3A_91 : i32
      %lt3A = arith.cmpi slt, %add3A_74, %mul3A_92 : i32
      %and3A = arith.andi %ge3A, %lt3A : i1
      %convert_element_type3A = arith.extui %and3A : i1 to i32
      %cond3A = arith.constant 0 : i32
      %cond3A_93 = arith.cmpi ne, %convert_element_type3A, %cond3A : i32
      scf.if %cond3A_93 {
        %dma_start3A_246 = arith.constant 0 : i32
        %dma_start3A_247 = tpu.memref_slice %arg11[%add3A_74, %dma_start3A_246] : memref<160x125xi32, #tpu.memory_space<vmem>> -> memref<1x125xi32, #tpu.memory_space<vmem>>
        %dma_start3A_248 = tpu.memref_squeeze %dma_start3A_247 : memref<1x125xi32, #tpu.memory_space<vmem>> -> memref<125xi32, #tpu.memory_space<vmem>>
        %dma_start3A_249 = arith.constant 0 : i32
        %dma_start3A_250 = arith.constant 0 : i32
        %dma_start3A_251 = tpu.memref_slice %arg18[%dma_start3A_249, %dma_start3A_250] : memref<10240x16xf32, #tpu.memory_space<vmem_shared>> -> memref<10240x16xf32, #tpu.memory_space<vmem_shared>>
        tpu.enqueue_indirect_dma source(%arg16 : memref<125x16xf32, #tpu.memory_space<vmem>>) target(%dma_start3A_251 : memref<10240x16xf32, #tpu.memory_space<vmem_shared>>) offsets(%dma_start3A_248 : memref<125xi32, #tpu.memory_space<vmem>>) semaphore(%arg27 : memref<!tpu.dma_semaphore, #tpu.memory_space<semaphore_mem>>) {add = true}
      } else {
      }
      %ge3A_94 = arith.constant 2 : i32
      %ge3A_95 = arith.cmpi sge, %add3A_74, %ge3A_94 : i32
      %add3A_96 = arith.constant 2 : i32
      %add3A_97 = arith.addi %add3A_74, %add3A_96 : i32
      %lt3A_98 = arith.constant 160 : i32
      %lt3A_99 = arith.cmpi slt, %add3A_97, %lt3A_98 : i32
      %and3A_100 = arith.andi %ge3A_95, %lt3A_99 : i1
      %convert_element_type3A_101 = arith.extui %and3A_100 : i1 to i32
      %cond3A_102 = arith.constant 0 : i32
      %cond3A_103 = arith.cmpi ne, %convert_element_type3A_101, %cond3A_102 : i32
      scf.if %cond3A_103 {
        %dma_wait3A_246 = arith.constant 0 : i32
        %dma_wait3A_247 = arith.constant 0 : i32
        %dma_wait3A_248 = tpu.memref_slice %arg11[%dma_wait3A_246, %dma_wait3A_247] : memref<160x125xi32, #tpu.memory_space<vmem>> -> memref<1x125xi32, #tpu.memory_space<vmem>>
        %dma_wait3A_249 = tpu.memref_squeeze %dma_wait3A_248 : memref<1x125xi32, #tpu.memory_space<vmem>> -> memref<125xi32, #tpu.memory_space<vmem>>
        %dma_wait3A_250 = arith.constant 0 : i32
        %dma_wait3A_251 = arith.constant 0 : i32
        %dma_wait3A_252 = tpu.memref_slice %arg17[%dma_wait3A_250, %dma_wait3A_251] : memref<10240x64xf32, #tpu.memory_space<vmem_shared>> -> memref<10240x64xf32, #tpu.memory_space<vmem_shared>>
        tpu.wait_indirect_dma semaphore(%arg25 : memref<!tpu.dma_semaphore, #tpu.memory_space<semaphore_mem>>) src(%arg14 : memref<125x64xf32, #tpu.memory_space<vmem>>) dst(%dma_wait3A_252 : memref<10240x64xf32, #tpu.memory_space<vmem_shared>>)
      } else {
      }
      %add3A_104 = arith.constant 2 : i32
      %add3A_105 = arith.addi %add3A_74, %add3A_104 : i32
      %lt3A_106 = arith.constant 160 : i32
      %lt3A_107 = arith.cmpi slt, %add3A_105, %lt3A_106 : i32
      %convert_element_type3A_108 = arith.extui %lt3A_107 : i1 to i32
      %cond3A_109 = arith.constant 0 : i32
      %cond3A_110 = arith.cmpi ne, %convert_element_type3A_108, %cond3A_109 : i32
      scf.if %cond3A_110 {
        %add3A_246 = arith.constant 2 : i32
        %add3A_247 = arith.addi %add3A_74, %add3A_246 : i32
        %dma_start3A_248 = arith.constant 0 : i32
        %dma_start3A_249 = tpu.memref_slice %arg10[%add3A_247, %dma_start3A_248] : memref<160x125xi32, #tpu.memory_space<vmem>> -> memref<1x125xi32, #tpu.memory_space<vmem>>
        %dma_start3A_250 = tpu.memref_squeeze %dma_start3A_249 : memref<1x125xi32, #tpu.memory_space<vmem>> -> memref<125xi32, #tpu.memory_space<vmem>>
        %dma_start3A_251 = arith.constant 0 : i32
        %dma_start3A_252 = arith.constant 0 : i32
        %dma_start3A_253 = tpu.memref_slice %arg2[%dma_start3A_251, %dma_start3A_252] : memref<20000x64xf32, #tpu.memory_space<hbm>> -> memref<20000x64xf32, #tpu.memory_space<hbm>>
        tpu.enqueue_indirect_dma source(%dma_start3A_253 : memref<20000x64xf32, #tpu.memory_space<hbm>>) target(%arg14 : memref<125x64xf32, #tpu.memory_space<vmem>>) offsets(%dma_start3A_250 : memref<125xi32, #tpu.memory_space<vmem>>) semaphore(%arg21 : memref<!tpu.dma_semaphore, #tpu.memory_space<semaphore_mem>>)
      } else {
      }
      %mul3A_111 = arith.constant 4 : i32
      %mul3A_112 = arith.muli %mul3A_111, %scan3A_70 : i32
      %add3A_113 = arith.constant 1 : i32
      %add3A_114 = arith.addi %mul3A_112, %add3A_113 : i32
      %dma_wait3A_115 = arith.constant 0 : i32
      %dma_wait3A_116 = tpu.memref_slice %arg10[%add3A_114, %dma_wait3A_115] : memref<160x125xi32, #tpu.memory_space<vmem>> -> memref<1x125xi32, #tpu.memory_space<vmem>>
      %dma_wait3A_117 = tpu.memref_squeeze %dma_wait3A_116 : memref<1x125xi32, #tpu.memory_space<vmem>> -> memref<125xi32, #tpu.memory_space<vmem>>
      %dma_wait3A_118 = arith.constant 0 : i32
      %dma_wait3A_119 = arith.constant 0 : i32
      %dma_wait3A_120 = tpu.memref_slice %arg2[%dma_wait3A_118, %dma_wait3A_119] : memref<20000x64xf32, #tpu.memory_space<hbm>> -> memref<20000x64xf32, #tpu.memory_space<hbm>>
      tpu.wait_indirect_dma semaphore(%arg20 : memref<!tpu.dma_semaphore, #tpu.memory_space<semaphore_mem>>) src(%dma_wait3A_120 : memref<20000x64xf32, #tpu.memory_space<hbm>>) dst(%arg13 : memref<125x64xf32, #tpu.memory_space<vmem>>)
      %dma_start3A_121 = arith.constant 0 : i32
      %dma_start3A_122 = tpu.memref_slice %arg11[%add3A_114, %dma_start3A_121] : memref<160x125xi32, #tpu.memory_space<vmem>> -> memref<1x125xi32, #tpu.memory_space<vmem>>
      %dma_start3A_123 = tpu.memref_squeeze %dma_start3A_122 : memref<1x125xi32, #tpu.memory_space<vmem>> -> memref<125xi32, #tpu.memory_space<vmem>>
      %dma_start3A_124 = arith.constant 0 : i32
      %dma_start3A_125 = arith.constant 0 : i32
      %dma_start3A_126 = tpu.memref_slice %arg17[%dma_start3A_124, %dma_start3A_125] : memref<10240x64xf32, #tpu.memory_space<vmem_shared>> -> memref<10240x64xf32, #tpu.memory_space<vmem_shared>>
      tpu.enqueue_indirect_dma source(%arg13 : memref<125x64xf32, #tpu.memory_space<vmem>>) target(%dma_start3A_126 : memref<10240x64xf32, #tpu.memory_space<vmem_shared>>) offsets(%dma_start3A_123 : memref<125xi32, #tpu.memory_space<vmem>>) semaphore(%arg24 : memref<!tpu.dma_semaphore, #tpu.memory_space<semaphore_mem>>) {add = true}
      %mul3A_127 = arith.constant 80 : i32
      %mul3A_128 = arith.muli %arg0, %mul3A_127 : i32
      %ge3A_129 = arith.cmpi sge, %add3A_114, %mul3A_128 : i32
      %add3A_130 = arith.constant 1 : i32
      %add3A_131 = arith.addi %arg0, %add3A_130 : i32
      %mul3A_132 = arith.constant 80 : i32
      %mul3A_133 = arith.muli %add3A_131, %mul3A_132 : i32
      %lt3A_134 = arith.cmpi slt, %add3A_114, %mul3A_133 : i32
      %and3A_135 = arith.andi %ge3A_129, %lt3A_134 : i1
      %convert_element_type3A_136 = arith.extui %and3A_135 : i1 to i32
      %cond3A_137 = arith.constant 0 : i32
      %cond3A_138 = arith.cmpi ne, %convert_element_type3A_136, %cond3A_137 : i32
      scf.if %cond3A_138 {
        %dma_start3A_246 = arith.constant 0 : i32
        %dma_start3A_247 = tpu.memref_slice %arg11[%add3A_114, %dma_start3A_246] : memref<160x125xi32, #tpu.memory_space<vmem>> -> memref<1x125xi32, #tpu.memory_space<vmem>>
        %dma_start3A_248 = tpu.memref_squeeze %dma_start3A_247 : memref<1x125xi32, #tpu.memory_space<vmem>> -> memref<125xi32, #tpu.memory_space<vmem>>
        %dma_start3A_249 = arith.constant 0 : i32
        %dma_start3A_250 = arith.constant 0 : i32
        %dma_start3A_251 = tpu.memref_slice %arg18[%dma_start3A_249, %dma_start3A_250] : memref<10240x16xf32, #tpu.memory_space<vmem_shared>> -> memref<10240x16xf32, #tpu.memory_space<vmem_shared>>
        tpu.enqueue_indirect_dma source(%arg16 : memref<125x16xf32, #tpu.memory_space<vmem>>) target(%dma_start3A_251 : memref<10240x16xf32, #tpu.memory_space<vmem_shared>>) offsets(%dma_start3A_248 : memref<125xi32, #tpu.memory_space<vmem>>) semaphore(%arg27 : memref<!tpu.dma_semaphore, #tpu.memory_space<semaphore_mem>>) {add = true}
      } else {
      }
      %ge3A_139 = arith.constant 2 : i32
      %ge3A_140 = arith.cmpi sge, %add3A_114, %ge3A_139 : i32
      %add3A_141 = arith.constant 2 : i32
      %add3A_142 = arith.addi %add3A_114, %add3A_141 : i32
      %lt3A_143 = arith.constant 160 : i32
      %lt3A_144 = arith.cmpi slt, %add3A_142, %lt3A_143 : i32
      %and3A_145 = arith.andi %ge3A_140, %lt3A_144 : i1
      %convert_element_type3A_146 = arith.extui %and3A_145 : i1 to i32
      %cond3A_147 = arith.constant 0 : i32
      %cond3A_148 = arith.cmpi ne, %convert_element_type3A_146, %cond3A_147 : i32
      scf.if %cond3A_148 {
        %dma_wait3A_246 = arith.constant 0 : i32
        %dma_wait3A_247 = arith.constant 0 : i32
        %dma_wait3A_248 = tpu.memref_slice %arg11[%dma_wait3A_246, %dma_wait3A_247] : memref<160x125xi32, #tpu.memory_space<vmem>> -> memref<1x125xi32, #tpu.memory_space<vmem>>
        %dma_wait3A_249 = tpu.memref_squeeze %dma_wait3A_248 : memref<1x125xi32, #tpu.memory_space<vmem>> -> memref<125xi32, #tpu.memory_space<vmem>>
        %dma_wait3A_250 = arith.constant 0 : i32
        %dma_wait3A_251 = arith.constant 0 : i32
        %dma_wait3A_252 = tpu.memref_slice %arg17[%dma_wait3A_250, %dma_wait3A_251] : memref<10240x64xf32, #tpu.memory_space<vmem_shared>> -> memref<10240x64xf32, #tpu.memory_space<vmem_shared>>
        tpu.wait_indirect_dma semaphore(%arg26 : memref<!tpu.dma_semaphore, #tpu.memory_space<semaphore_mem>>) src(%arg15 : memref<125x64xf32, #tpu.memory_space<vmem>>) dst(%dma_wait3A_252 : memref<10240x64xf32, #tpu.memory_space<vmem_shared>>)
      } else {
      }
      %add3A_149 = arith.constant 2 : i32
      %add3A_150 = arith.addi %add3A_114, %add3A_149 : i32
      %lt3A_151 = arith.constant 160 : i32
      %lt3A_152 = arith.cmpi slt, %add3A_150, %lt3A_151 : i32
      %convert_element_type3A_153 = arith.extui %lt3A_152 : i1 to i32
      %cond3A_154 = arith.constant 0 : i32
      %cond3A_155 = arith.cmpi ne, %convert_element_type3A_153, %cond3A_154 : i32
      scf.if %cond3A_155 {
        %add3A_246 = arith.constant 2 : i32
        %add3A_247 = arith.addi %add3A_114, %add3A_246 : i32
        %dma_start3A_248 = arith.constant 0 : i32
        %dma_start3A_249 = tpu.memref_slice %arg10[%add3A_247, %dma_start3A_248] : memref<160x125xi32, #tpu.memory_space<vmem>> -> memref<1x125xi32, #tpu.memory_space<vmem>>
        %dma_start3A_250 = tpu.memref_squeeze %dma_start3A_249 : memref<1x125xi32, #tpu.memory_space<vmem>> -> memref<125xi32, #tpu.memory_space<vmem>>
        %dma_start3A_251 = arith.constant 0 : i32
        %dma_start3A_252 = arith.constant 0 : i32
        %dma_start3A_253 = tpu.memref_slice %arg2[%dma_start3A_251, %dma_start3A_252] : memref<20000x64xf32, #tpu.memory_space<hbm>> -> memref<20000x64xf32, #tpu.memory_space<hbm>>
        tpu.enqueue_indirect_dma source(%dma_start3A_253 : memref<20000x64xf32, #tpu.memory_space<hbm>>) target(%arg15 : memref<125x64xf32, #tpu.memory_space<vmem>>) offsets(%dma_start3A_250 : memref<125xi32, #tpu.memory_space<vmem>>) semaphore(%arg22 : memref<!tpu.dma_semaphore, #tpu.memory_space<semaphore_mem>>)
      } else {
      }
      %mul3A_156 = arith.constant 4 : i32
      %mul3A_157 = arith.muli %mul3A_156, %scan3A_70 : i32
      %add3A_158 = arith.constant 2 : i32
      %add3A_159 = arith.addi %mul3A_157, %add3A_158 : i32
      %dma_wait3A_160 = arith.constant 0 : i32
      %dma_wait3A_161 = tpu.memref_slice %arg10[%add3A_159, %dma_wait3A_160] : memref<160x125xi32, #tpu.memory_space<vmem>> -> memref<1x125xi32, #tpu.memory_space<vmem>>
      %dma_wait3A_162 = tpu.memref_squeeze %dma_wait3A_161 : memref<1x125xi32, #tpu.memory_space<vmem>> -> memref<125xi32, #tpu.memory_space<vmem>>
      %dma_wait3A_163 = arith.constant 0 : i32
      %dma_wait3A_164 = arith.constant 0 : i32
      %dma_wait3A_165 = tpu.memref_slice %arg2[%dma_wait3A_163, %dma_wait3A_164] : memref<20000x64xf32, #tpu.memory_space<hbm>> -> memref<20000x64xf32, #tpu.memory_space<hbm>>
      tpu.wait_indirect_dma semaphore(%arg21 : memref<!tpu.dma_semaphore, #tpu.memory_space<semaphore_mem>>) src(%dma_wait3A_165 : memref<20000x64xf32, #tpu.memory_space<hbm>>) dst(%arg14 : memref<125x64xf32, #tpu.memory_space<vmem>>)
      %dma_start3A_166 = arith.constant 0 : i32
      %dma_start3A_167 = tpu.memref_slice %arg11[%add3A_159, %dma_start3A_166] : memref<160x125xi32, #tpu.memory_space<vmem>> -> memref<1x125xi32, #tpu.memory_space<vmem>>
      %dma_start3A_168 = tpu.memref_squeeze %dma_start3A_167 : memref<1x125xi32, #tpu.memory_space<vmem>> -> memref<125xi32, #tpu.memory_space<vmem>>
      %dma_start3A_169 = arith.constant 0 : i32
      %dma_start3A_170 = arith.constant 0 : i32
      %dma_start3A_171 = tpu.memref_slice %arg17[%dma_start3A_169, %dma_start3A_170] : memref<10240x64xf32, #tpu.memory_space<vmem_shared>> -> memref<10240x64xf32, #tpu.memory_space<vmem_shared>>
      tpu.enqueue_indirect_dma source(%arg14 : memref<125x64xf32, #tpu.memory_space<vmem>>) target(%dma_start3A_171 : memref<10240x64xf32, #tpu.memory_space<vmem_shared>>) offsets(%dma_start3A_168 : memref<125xi32, #tpu.memory_space<vmem>>) semaphore(%arg25 : memref<!tpu.dma_semaphore, #tpu.memory_space<semaphore_mem>>) {add = true}
      %mul3A_172 = arith.constant 80 : i32
      %mul3A_173 = arith.muli %arg0, %mul3A_172 : i32
      %ge3A_174 = arith.cmpi sge, %add3A_159, %mul3A_173 : i32
      %add3A_175 = arith.constant 1 : i32
      %add3A_176 = arith.addi %arg0, %add3A_175 : i32
      %mul3A_177 = arith.constant 80 : i32
      %mul3A_178 = arith.muli %add3A_176, %mul3A_177 : i32
      %lt3A_179 = arith.cmpi slt, %add3A_159, %mul3A_178 : i32
      %and3A_180 = arith.andi %ge3A_174, %lt3A_179 : i1
      %convert_element_type3A_181 = arith.extui %and3A_180 : i1 to i32
      %cond3A_182 = arith.constant 0 : i32
      %cond3A_183 = arith.cmpi ne, %convert_element_type3A_181, %cond3A_182 : i32
      scf.if %cond3A_183 {
        %dma_start3A_246 = arith.constant 0 : i32
        %dma_start3A_247 = tpu.memref_slice %arg11[%add3A_159, %dma_start3A_246] : memref<160x125xi32, #tpu.memory_space<vmem>> -> memref<1x125xi32, #tpu.memory_space<vmem>>
        %dma_start3A_248 = tpu.memref_squeeze %dma_start3A_247 : memref<1x125xi32, #tpu.memory_space<vmem>> -> memref<125xi32, #tpu.memory_space<vmem>>
        %dma_start3A_249 = arith.constant 0 : i32
        %dma_start3A_250 = arith.constant 0 : i32
        %dma_start3A_251 = tpu.memref_slice %arg18[%dma_start3A_249, %dma_start3A_250] : memref<10240x16xf32, #tpu.memory_space<vmem_shared>> -> memref<10240x16xf32, #tpu.memory_space<vmem_shared>>
        tpu.enqueue_indirect_dma source(%arg16 : memref<125x16xf32, #tpu.memory_space<vmem>>) target(%dma_start3A_251 : memref<10240x16xf32, #tpu.memory_space<vmem_shared>>) offsets(%dma_start3A_248 : memref<125xi32, #tpu.memory_space<vmem>>) semaphore(%arg27 : memref<!tpu.dma_semaphore, #tpu.memory_space<semaphore_mem>>) {add = true}
      } else {
      }
      %ge3A_184 = arith.constant 2 : i32
      %ge3A_185 = arith.cmpi sge, %add3A_159, %ge3A_184 : i32
      %add3A_186 = arith.constant 2 : i32
      %add3A_187 = arith.addi %add3A_159, %add3A_186 : i32
      %lt3A_188 = arith.constant 160 : i32
      %lt3A_189 = arith.cmpi slt, %add3A_187, %lt3A_188 : i32
      %and3A_190 = arith.andi %ge3A_185, %lt3A_189 : i1
      %convert_element_type3A_191 = arith.extui %and3A_190 : i1 to i32
      %cond3A_192 = arith.constant 0 : i32
      %cond3A_193 = arith.cmpi ne, %convert_element_type3A_191, %cond3A_192 : i32
      scf.if %cond3A_193 {
        %dma_wait3A_246 = arith.constant 0 : i32
        %dma_wait3A_247 = arith.constant 0 : i32
        %dma_wait3A_248 = tpu.memref_slice %arg11[%dma_wait3A_246, %dma_wait3A_247] : memref<160x125xi32, #tpu.memory_space<vmem>> -> memref<1x125xi32, #tpu.memory_space<vmem>>
        %dma_wait3A_249 = tpu.memref_squeeze %dma_wait3A_248 : memref<1x125xi32, #tpu.memory_space<vmem>> -> memref<125xi32, #tpu.memory_space<vmem>>
        %dma_wait3A_250 = arith.constant 0 : i32
        %dma_wait3A_251 = arith.constant 0 : i32
        %dma_wait3A_252 = tpu.memref_slice %arg17[%dma_wait3A_250, %dma_wait3A_251] : memref<10240x64xf32, #tpu.memory_space<vmem_shared>> -> memref<10240x64xf32, #tpu.memory_space<vmem_shared>>
        tpu.wait_indirect_dma semaphore(%arg23 : memref<!tpu.dma_semaphore, #tpu.memory_space<semaphore_mem>>) src(%arg12 : memref<125x64xf32, #tpu.memory_space<vmem>>) dst(%dma_wait3A_252 : memref<10240x64xf32, #tpu.memory_space<vmem_shared>>)
      } else {
      }
      %add3A_194 = arith.constant 2 : i32
      %add3A_195 = arith.addi %add3A_159, %add3A_194 : i32
      %lt3A_196 = arith.constant 160 : i32
      %lt3A_197 = arith.cmpi slt, %add3A_195, %lt3A_196 : i32
      %convert_element_type3A_198 = arith.extui %lt3A_197 : i1 to i32
      %cond3A_199 = arith.constant 0 : i32
      %cond3A_200 = arith.cmpi ne, %convert_element_type3A_198, %cond3A_199 : i32
      scf.if %cond3A_200 {
        %add3A_246 = arith.constant 2 : i32
        %add3A_247 = arith.addi %add3A_159, %add3A_246 : i32
        %dma_start3A_248 = arith.constant 0 : i32
        %dma_start3A_249 = tpu.memref_slice %arg10[%add3A_247, %dma_start3A_248] : memref<160x125xi32, #tpu.memory_space<vmem>> -> memref<1x125xi32, #tpu.memory_space<vmem>>
        %dma_start3A_250 = tpu.memref_squeeze %dma_start3A_249 : memref<1x125xi32, #tpu.memory_space<vmem>> -> memref<125xi32, #tpu.memory_space<vmem>>
        %dma_start3A_251 = arith.constant 0 : i32
        %dma_start3A_252 = arith.constant 0 : i32
        %dma_start3A_253 = tpu.memref_slice %arg2[%dma_start3A_251, %dma_start3A_252] : memref<20000x64xf32, #tpu.memory_space<hbm>> -> memref<20000x64xf32, #tpu.memory_space<hbm>>
        tpu.enqueue_indirect_dma source(%dma_start3A_253 : memref<20000x64xf32, #tpu.memory_space<hbm>>) target(%arg12 : memref<125x64xf32, #tpu.memory_space<vmem>>) offsets(%dma_start3A_250 : memref<125xi32, #tpu.memory_space<vmem>>) semaphore(%arg19 : memref<!tpu.dma_semaphore, #tpu.memory_space<semaphore_mem>>)
      } else {
      }
      %mul3A_201 = arith.constant 4 : i32
      %mul3A_202 = arith.muli %mul3A_201, %scan3A_70 : i32
      %add3A_203 = arith.constant 3 : i32
      %add3A_204 = arith.addi %mul3A_202, %add3A_203 : i32
      %dma_wait3A_205 = arith.constant 0 : i32
      %dma_wait3A_206 = tpu.memref_slice %arg10[%add3A_204, %dma_wait3A_205] : memref<160x125xi32, #tpu.memory_space<vmem>> -> memref<1x125xi32, #tpu.memory_space<vmem>>
      %dma_wait3A_207 = tpu.memref_squeeze %dma_wait3A_206 : memref<1x125xi32, #tpu.memory_space<vmem>> -> memref<125xi32, #tpu.memory_space<vmem>>
      %dma_wait3A_208 = arith.constant 0 : i32
      %dma_wait3A_209 = arith.constant 0 : i32
      %dma_wait3A_210 = tpu.memref_slice %arg2[%dma_wait3A_208, %dma_wait3A_209] : memref<20000x64xf32, #tpu.memory_space<hbm>> -> memref<20000x64xf32, #tpu.memory_space<hbm>>
      tpu.wait_indirect_dma semaphore(%arg22 : memref<!tpu.dma_semaphore, #tpu.memory_space<semaphore_mem>>) src(%dma_wait3A_210 : memref<20000x64xf32, #tpu.memory_space<hbm>>) dst(%arg15 : memref<125x64xf32, #tpu.memory_space<vmem>>)
      %dma_start3A_211 = arith.constant 0 : i32
      %dma_start3A_212 = tpu.memref_slice %arg11[%add3A_204, %dma_start3A_211] : memref<160x125xi32, #tpu.memory_space<vmem>> -> memref<1x125xi32, #tpu.memory_space<vmem>>
      %dma_start3A_213 = tpu.memref_squeeze %dma_start3A_212 : memref<1x125xi32, #tpu.memory_space<vmem>> -> memref<125xi32, #tpu.memory_space<vmem>>
      %dma_start3A_214 = arith.constant 0 : i32
      %dma_start3A_215 = arith.constant 0 : i32
      %dma_start3A_216 = tpu.memref_slice %arg17[%dma_start3A_214, %dma_start3A_215] : memref<10240x64xf32, #tpu.memory_space<vmem_shared>> -> memref<10240x64xf32, #tpu.memory_space<vmem_shared>>
      tpu.enqueue_indirect_dma source(%arg15 : memref<125x64xf32, #tpu.memory_space<vmem>>) target(%dma_start3A_216 : memref<10240x64xf32, #tpu.memory_space<vmem_shared>>) offsets(%dma_start3A_213 : memref<125xi32, #tpu.memory_space<vmem>>) semaphore(%arg26 : memref<!tpu.dma_semaphore, #tpu.memory_space<semaphore_mem>>) {add = true}
      %mul3A_217 = arith.constant 80 : i32
      %mul3A_218 = arith.muli %arg0, %mul3A_217 : i32
      %ge3A_219 = arith.cmpi sge, %add3A_204, %mul3A_218 : i32
      %add3A_220 = arith.constant 1 : i32
      %add3A_221 = arith.addi %arg0, %add3A_220 : i32
      %mul3A_222 = arith.constant 80 : i32
      %mul3A_223 = arith.muli %add3A_221, %mul3A_222 : i32
      %lt3A_224 = arith.cmpi slt, %add3A_204, %mul3A_223 : i32
      %and3A_225 = arith.andi %ge3A_219, %lt3A_224 : i1
      %convert_element_type3A_226 = arith.extui %and3A_225 : i1 to i32
      %cond3A_227 = arith.constant 0 : i32
      %cond3A_228 = arith.cmpi ne, %convert_element_type3A_226, %cond3A_227 : i32
      scf.if %cond3A_228 {
        %dma_start3A_246 = arith.constant 0 : i32
        %dma_start3A_247 = tpu.memref_slice %arg11[%add3A_204, %dma_start3A_246] : memref<160x125xi32, #tpu.memory_space<vmem>> -> memref<1x125xi32, #tpu.memory_space<vmem>>
        %dma_start3A_248 = tpu.memref_squeeze %dma_start3A_247 : memref<1x125xi32, #tpu.memory_space<vmem>> -> memref<125xi32, #tpu.memory_space<vmem>>
        %dma_start3A_249 = arith.constant 0 : i32
        %dma_start3A_250 = arith.constant 0 : i32
        %dma_start3A_251 = tpu.memref_slice %arg18[%dma_start3A_249, %dma_start3A_250] : memref<10240x16xf32, #tpu.memory_space<vmem_shared>> -> memref<10240x16xf32, #tpu.memory_space<vmem_shared>>
        tpu.enqueue_indirect_dma source(%arg16 : memref<125x16xf32, #tpu.memory_space<vmem>>) target(%dma_start3A_251 : memref<10240x16xf32, #tpu.memory_space<vmem_shared>>) offsets(%dma_start3A_248 : memref<125xi32, #tpu.memory_space<vmem>>) semaphore(%arg27 : memref<!tpu.dma_semaphore, #tpu.memory_space<semaphore_mem>>) {add = true}
      } else {
      }
      %ge3A_229 = arith.constant 2 : i32
      %ge3A_230 = arith.cmpi sge, %add3A_204, %ge3A_229 : i32
      %add3A_231 = arith.constant 2 : i32
      %add3A_232 = arith.addi %add3A_204, %add3A_231 : i32
      %lt3A_233 = arith.constant 160 : i32
      %lt3A_234 = arith.cmpi slt, %add3A_232, %lt3A_233 : i32
      %and3A_235 = arith.andi %ge3A_230, %lt3A_234 : i1
      %convert_element_type3A_236 = arith.extui %and3A_235 : i1 to i32
      %cond3A_237 = arith.constant 0 : i32
      %cond3A_238 = arith.cmpi ne, %convert_element_type3A_236, %cond3A_237 : i32
      scf.if %cond3A_238 {
        %dma_wait3A_246 = arith.constant 0 : i32
        %dma_wait3A_247 = arith.constant 0 : i32
        %dma_wait3A_248 = tpu.memref_slice %arg11[%dma_wait3A_246, %dma_wait3A_247] : memref<160x125xi32, #tpu.memory_space<vmem>> -> memref<1x125xi32, #tpu.memory_space<vmem>>
        %dma_wait3A_249 = tpu.memref_squeeze %dma_wait3A_248 : memref<1x125xi32, #tpu.memory_space<vmem>> -> memref<125xi32, #tpu.memory_space<vmem>>
        %dma_wait3A_250 = arith.constant 0 : i32
        %dma_wait3A_251 = arith.constant 0 : i32
        %dma_wait3A_252 = tpu.memref_slice %arg17[%dma_wait3A_250, %dma_wait3A_251] : memref<10240x64xf32, #tpu.memory_space<vmem_shared>> -> memref<10240x64xf32, #tpu.memory_space<vmem_shared>>
        tpu.wait_indirect_dma semaphore(%arg24 : memref<!tpu.dma_semaphore, #tpu.memory_space<semaphore_mem>>) src(%arg13 : memref<125x64xf32, #tpu.memory_space<vmem>>) dst(%dma_wait3A_252 : memref<10240x64xf32, #tpu.memory_space<vmem_shared>>)
      } else {
      }
      %add3A_239 = arith.constant 2 : i32
      %add3A_240 = arith.addi %add3A_204, %add3A_239 : i32
      %lt3A_241 = arith.constant 160 : i32
      %lt3A_242 = arith.cmpi slt, %add3A_240, %lt3A_241 : i32
      %convert_element_type3A_243 = arith.extui %lt3A_242 : i1 to i32
      %cond3A_244 = arith.constant 0 : i32
      %cond3A_245 = arith.cmpi ne, %convert_element_type3A_243, %cond3A_244 : i32
      scf.if %cond3A_245 {
        %add3A_246 = arith.constant 2 : i32
        %add3A_247 = arith.addi %add3A_204, %add3A_246 : i32
        %dma_start3A_248 = arith.constant 0 : i32
        %dma_start3A_249 = tpu.memref_slice %arg10[%add3A_247, %dma_start3A_248] : memref<160x125xi32, #tpu.memory_space<vmem>> -> memref<1x125xi32, #tpu.memory_space<vmem>>
        %dma_start3A_250 = tpu.memref_squeeze %dma_start3A_249 : memref<1x125xi32, #tpu.memory_space<vmem>> -> memref<125xi32, #tpu.memory_space<vmem>>
        %dma_start3A_251 = arith.constant 0 : i32
        %dma_start3A_252 = arith.constant 0 : i32
        %dma_start3A_253 = tpu.memref_slice %arg2[%dma_start3A_251, %dma_start3A_252] : memref<20000x64xf32, #tpu.memory_space<hbm>> -> memref<20000x64xf32, #tpu.memory_space<hbm>>
        tpu.enqueue_indirect_dma source(%dma_start3A_253 : memref<20000x64xf32, #tpu.memory_space<hbm>>) target(%arg13 : memref<125x64xf32, #tpu.memory_space<vmem>>) offsets(%dma_start3A_250 : memref<125xi32, #tpu.memory_space<vmem>>) semaphore(%arg20 : memref<!tpu.dma_semaphore, #tpu.memory_space<semaphore_mem>>)
      } else {
      }
    }
    %scan3A_26 = arith.constant 40 : i32
    %dma_wait3A = arith.constant 0 : i32
    %dma_wait3A_27 = arith.constant 0 : i32
    %dma_wait3A_28 = tpu.memref_slice %arg11[%dma_wait3A, %dma_wait3A_27] : memref<160x125xi32, #tpu.memory_space<vmem>> -> memref<1x125xi32, #tpu.memory_space<vmem>>
    %dma_wait3A_29 = tpu.memref_squeeze %dma_wait3A_28 : memref<1x125xi32, #tpu.memory_space<vmem>> -> memref<125xi32, #tpu.memory_space<vmem>>
    %dma_wait3A_30 = arith.constant 0 : i32
    %dma_wait3A_31 = arith.constant 0 : i32
    %dma_wait3A_32 = tpu.memref_slice %arg17[%dma_wait3A_30, %dma_wait3A_31] : memref<10240x64xf32, #tpu.memory_space<vmem_shared>> -> memref<10240x64xf32, #tpu.memory_space<vmem_shared>>
    tpu.wait_indirect_dma semaphore(%arg23 : memref<!tpu.dma_semaphore, #tpu.memory_space<semaphore_mem>>) src(%arg12 : memref<125x64xf32, #tpu.memory_space<vmem>>) dst(%dma_wait3A_32 : memref<10240x64xf32, #tpu.memory_space<vmem_shared>>)
    %dma_wait3A_33 = arith.constant 0 : i32
    %dma_wait3A_34 = arith.constant 0 : i32
    %dma_wait3A_35 = tpu.memref_slice %arg11[%dma_wait3A_33, %dma_wait3A_34] : memref<160x125xi32, #tpu.memory_space<vmem>> -> memref<1x125xi32, #tpu.memory_space<vmem>>
    %dma_wait3A_36 = tpu.memref_squeeze %dma_wait3A_35 : memref<1x125xi32, #tpu.memory_space<vmem>> -> memref<125xi32, #tpu.memory_space<vmem>>
    %dma_wait3A_37 = arith.constant 0 : i32
    %dma_wait3A_38 = arith.constant 0 : i32
    %dma_wait3A_39 = tpu.memref_slice %arg17[%dma_wait3A_37, %dma_wait3A_38] : memref<10240x64xf32, #tpu.memory_space<vmem_shared>> -> memref<10240x64xf32, #tpu.memory_space<vmem_shared>>
    tpu.wait_indirect_dma semaphore(%arg24 : memref<!tpu.dma_semaphore, #tpu.memory_space<semaphore_mem>>) src(%arg13 : memref<125x64xf32, #tpu.memory_space<vmem>>) dst(%dma_wait3A_39 : memref<10240x64xf32, #tpu.memory_space<vmem_shared>>)
    %dma_wait3A_40 = arith.constant 0 : i32
    %dma_wait3A_41 = arith.constant 0 : i32
    %dma_wait3A_42 = tpu.memref_slice %arg11[%dma_wait3A_40, %dma_wait3A_41] : memref<160x125xi32, #tpu.memory_space<vmem>> -> memref<1x125xi32, #tpu.memory_space<vmem>>
    %dma_wait3A_43 = tpu.memref_squeeze %dma_wait3A_42 : memref<1x125xi32, #tpu.memory_space<vmem>> -> memref<125xi32, #tpu.memory_space<vmem>>
    %dma_wait3A_44 = arith.constant 0 : i32
    %dma_wait3A_45 = arith.constant 0 : i32
    %dma_wait3A_46 = tpu.memref_slice %arg17[%dma_wait3A_44, %dma_wait3A_45] : memref<10240x64xf32, #tpu.memory_space<vmem_shared>> -> memref<10240x64xf32, #tpu.memory_space<vmem_shared>>
    tpu.wait_indirect_dma semaphore(%arg25 : memref<!tpu.dma_semaphore, #tpu.memory_space<semaphore_mem>>) src(%arg14 : memref<125x64xf32, #tpu.memory_space<vmem>>) dst(%dma_wait3A_46 : memref<10240x64xf32, #tpu.memory_space<vmem_shared>>)
    %dma_wait3A_47 = arith.constant 0 : i32
    %dma_wait3A_48 = arith.constant 0 : i32
    %dma_wait3A_49 = tpu.memref_slice %arg11[%dma_wait3A_47, %dma_wait3A_48] : memref<160x125xi32, #tpu.memory_space<vmem>> -> memref<1x125xi32, #tpu.memory_space<vmem>>
    %dma_wait3A_50 = tpu.memref_squeeze %dma_wait3A_49 : memref<1x125xi32, #tpu.memory_space<vmem>> -> memref<125xi32, #tpu.memory_space<vmem>>
    %dma_wait3A_51 = arith.constant 0 : i32
    %dma_wait3A_52 = arith.constant 0 : i32
    %dma_wait3A_53 = tpu.memref_slice %arg17[%dma_wait3A_51, %dma_wait3A_52] : memref<10240x64xf32, #tpu.memory_space<vmem_shared>> -> memref<10240x64xf32, #tpu.memory_space<vmem_shared>>
    tpu.wait_indirect_dma semaphore(%arg26 : memref<!tpu.dma_semaphore, #tpu.memory_space<semaphore_mem>>) src(%arg15 : memref<125x64xf32, #tpu.memory_space<vmem>>) dst(%dma_wait3A_53 : memref<10240x64xf32, #tpu.memory_space<vmem_shared>>)
    %scan3A_54 = arith.constant 0 : i32
    %scan3A_55 = arith.constant 0 : i32
    %scan3A_56 = arith.constant 80 : i32
    %scan3A_57 = arith.addi %scan3A_55, %scan3A_56 : i32
    %scan3A_58 = arith.constant 1 : i32
    scf.for %scan3A_70 = %scan3A_55 to %scan3A_57 step %scan3A_58  : i32 {
      %dma_wait3A_71 = arith.constant 0 : i32
      %dma_wait3A_72 = arith.constant 0 : i32
      %dma_wait3A_73 = tpu.memref_slice %arg11[%dma_wait3A_71, %dma_wait3A_72] : memref<160x125xi32, #tpu.memory_space<vmem>> -> memref<1x125xi32, #tpu.memory_space<vmem>>
      %dma_wait3A_74 = tpu.memref_squeeze %dma_wait3A_73 : memref<1x125xi32, #tpu.memory_space<vmem>> -> memref<125xi32, #tpu.memory_space<vmem>>
      %dma_wait3A_75 = arith.constant 0 : i32
      %dma_wait3A_76 = arith.constant 0 : i32
      %dma_wait3A_77 = tpu.memref_slice %arg18[%dma_wait3A_75, %dma_wait3A_76] : memref<10240x16xf32, #tpu.memory_space<vmem_shared>> -> memref<10240x16xf32, #tpu.memory_space<vmem_shared>>
      tpu.wait_indirect_dma semaphore(%arg27 : memref<!tpu.dma_semaphore, #tpu.memory_space<semaphore_mem>>) src(%arg16 : memref<125x16xf32, #tpu.memory_space<vmem>>) dst(%dma_wait3A_77 : memref<10240x16xf32, #tpu.memory_space<vmem_shared>>)
    }
    %scan3A_59 = arith.constant 80 : i32
    %barrier3A_60 = arith.constant 0 : index
    tpu.barrier barrier_id(%barrier3A_60)
    %mul3A_61 = arith.constant 10240 : i32
    %mul3A_62 = arith.muli %arg0, %mul3A_61 : i32
    %mul3A_63 = arith.constant 640 : i32
    %mul3A_64 = arith.muli %arg1, %mul3A_63 : i32
    %add3A_65 = arith.addi %mul3A_62, %mul3A_64 : i32
    %mul3A_66 = arith.constant 640 : i32
    %mul3A_67 = arith.muli %arg1, %mul3A_66 : i32
    "tpu.region"() ({
      %run_scoped3A = tpu.sem_alloc : memref<!tpu.dma_semaphore, #tpu.memory_space<semaphore_mem>>
      %dma_start3A_70 = arith.constant 0 : i32
      %dma_start3A_71 = tpu.memref_slice %arg8[%add3A_65, %dma_start3A_70] : memref<20480x64xf32, #tpu.memory_space<hbm>> -> memref<640x64xf32, #tpu.memory_space<hbm>>
      %dma_start3A_72 = arith.constant 0 : i32
      %dma_start3A_73 = tpu.memref_slice %arg17[%mul3A_67, %dma_start3A_72] : memref<10240x64xf32, #tpu.memory_space<vmem_shared>> -> memref<640x64xf32, #tpu.memory_space<vmem_shared>>
      tpu.enqueue_dma source(%dma_start3A_73 : memref<640x64xf32, #tpu.memory_space<vmem_shared>>) target(%dma_start3A_71 : memref<640x64xf32, #tpu.memory_space<hbm>>) target_semaphore(%run_scoped3A : memref<!tpu.dma_semaphore, #tpu.memory_space<semaphore_mem>>)
      %dma_wait3A_74 = arith.constant 0 : i32
      %dma_wait3A_75 = tpu.memref_slice %arg8[%add3A_65, %dma_wait3A_74] : memref<20480x64xf32, #tpu.memory_space<hbm>> -> memref<640x64xf32, #tpu.memory_space<hbm>>
      %dma_wait3A_76 = arith.constant 0 : i32
      %dma_wait3A_77 = tpu.memref_slice %arg17[%mul3A_67, %dma_wait3A_76] : memref<10240x64xf32, #tpu.memory_space<vmem_shared>> -> memref<640x64xf32, #tpu.memory_space<vmem_shared>>
      tpu.wait_dma2 semaphore(%run_scoped3A : memref<!tpu.dma_semaphore, #tpu.memory_space<semaphore_mem>>) src(%dma_wait3A_77 : memref<640x64xf32, #tpu.memory_space<vmem_shared>>) dst(%dma_wait3A_75 : memref<640x64xf32, #tpu.memory_space<hbm>>)
      tpu.yield
    }) : () -> ()
    %mul3A_68 = arith.constant 640 : i32
    %mul3A_69 = arith.muli %arg1, %mul3A_68 : i32
    "tpu.region"() ({
      %run_scoped3A = tpu.sem_alloc : memref<!tpu.dma_semaphore, #tpu.memory_space<semaphore_mem>>
      %dma_start3A_70 = arith.constant 0 : i32
      %dma_start3A_71 = tpu.memref_slice %arg9[%add3A_65, %dma_start3A_70] : memref<20480x16xf32, #tpu.memory_space<hbm>> -> memref<640x16xf32, #tpu.memory_space<hbm>>
      %dma_start3A_72 = arith.constant 0 : i32
      %dma_start3A_73 = tpu.memref_slice %arg18[%mul3A_69, %dma_start3A_72] : memref<10240x16xf32, #tpu.memory_space<vmem_shared>> -> memref<640x16xf32, #tpu.memory_space<vmem_shared>>
      tpu.enqueue_dma source(%dma_start3A_73 : memref<640x16xf32, #tpu.memory_space<vmem_shared>>) target(%dma_start3A_71 : memref<640x16xf32, #tpu.memory_space<hbm>>) target_semaphore(%run_scoped3A : memref<!tpu.dma_semaphore, #tpu.memory_space<semaphore_mem>>)
      %dma_wait3A_74 = arith.constant 0 : i32
      %dma_wait3A_75 = tpu.memref_slice %arg9[%add3A_65, %dma_wait3A_74] : memref<20480x16xf32, #tpu.memory_space<hbm>> -> memref<640x16xf32, #tpu.memory_space<hbm>>
      %dma_wait3A_76 = arith.constant 0 : i32
      %dma_wait3A_77 = tpu.memref_slice %arg18[%mul3A_69, %dma_wait3A_76] : memref<10240x16xf32, #tpu.memory_space<vmem_shared>> -> memref<640x16xf32, #tpu.memory_space<vmem_shared>>
      tpu.wait_dma2 semaphore(%run_scoped3A : memref<!tpu.dma_semaphore, #tpu.memory_space<semaphore_mem>>) src(%dma_wait3A_77 : memref<640x16xf32, #tpu.memory_space<vmem_shared>>) dst(%dma_wait3A_75 : memref<640x16xf32, #tpu.memory_space<hbm>>)
      tpu.yield
    }) : () -> ()
    return
  }
}

module attributes {stable_mosaic.version = 14 : i64} {
  func.func @body(%arg0: memref<10000x128xf32, #tpu.memory_space<vmem>>, %arg1: memref<128x128xf32, #tpu.memory_space<vmem>>, %arg2: memref<1x128xf32, #tpu.memory_space<vmem>>, %arg3: memref<20000x64xf32, #tpu.memory_space<vmem>>) attributes {dimension_semantics = [], scalar_prefetch = 0 : i64, scratch_operands = 0 : i64, tpu.core_type = #tpu.core_type<tc>} {
    %get3A = arith.constant 0 : index
    %get3A_0 = arith.constant 0 : index
    %get3A_1 = vector.load %arg0[%get3A, %get3A_0] : memref<10000x128xf32, #tpu.memory_space<vmem>>, vector<10000x128xf32>
    %get3A_2 = arith.constant 0 : index
    %get3A_3 = arith.constant 0 : index
    %get3A_4 = vector.load %arg1[%get3A_2, %get3A_3] : memref<128x128xf32, #tpu.memory_space<vmem>>, vector<128x128xf32>
    %dot_general3A = arith.constant dense<0.000000e+00> : vector<10000x128xf32>
    %dot_general3A_5 = tpu.matmul %get3A_1, %get3A_4, %dot_general3A {dimension_numbers = #tpu.dot_dimension_numbers<[1], [0], [0], [1], [0, 0, 1, 1], [], []>, transpose_lhs_hint = false} : vector<10000x128xf32>, vector<128x128xf32>, vector<10000x128xf32> -> vector<10000x128xf32>
    %get3A_6 = arith.constant 0 : index
    %get3A_7 = arith.constant 0 : index
    %get3A_8 = vector.load %arg2[%get3A_6, %get3A_7] : memref<1x128xf32, #tpu.memory_space<vmem>>, vector<1x128xf32>
    %add3A = vector.broadcast %get3A_8 : vector<1x128xf32> to vector<10000x128xf32>
    %add3A_9 = arith.addf %dot_general3A_5, %add3A : vector<10000x128xf32>
    %slice3A = vector.extract_strided_slice %add3A_9 {offsets = [0, 0], sizes = [10000, 64], strides = [1, 1]} : vector<10000x128xf32> to vector<10000x64xf32>
    %swap3A = arith.constant 0 : index
    %swap3A_10 = arith.constant 0 : index
    %swap3A_11 = vector.load %arg3[%swap3A, %swap3A_10] : memref<20000x64xf32, #tpu.memory_space<vmem>>, vector<10000x64xf32>
    tpu.vector_store %arg3[%swap3A, %swap3A_10], %slice3A {strides = array<i32>} : memref<20000x64xf32, #tpu.memory_space<vmem>>, vector<10000x64xf32>,
    %slice3A_12 = vector.extract_strided_slice %add3A_9 {offsets = [0, 64], sizes = [10000, 64], strides = [1, 1]} : vector<10000x128xf32> to vector<10000x64xf32>
    %swap3A_13 = arith.constant 10000 : index
    %swap3A_14 = arith.constant 0 : index
    %swap3A_15 = vector.load %arg3[%swap3A_13, %swap3A_14] : memref<20000x64xf32, #tpu.memory_space<vmem>>, vector<10000x64xf32>
    tpu.vector_store %arg3[%swap3A_13, %swap3A_14], %slice3A_12 {strides = array<i32>} : memref<20000x64xf32, #tpu.memory_space<vmem>>, vector<10000x64xf32>,
    return
  }
}

module attributes {stable_mosaic.version = 14 : i64} {
  func.func @body(%arg0: memref<20480x64xf32, #tpu.memory_space<vmem>>, %arg1: memref<20480x16xf32, #tpu.memory_space<vmem>>, %arg2: memref<10000x1xi32, #tpu.memory_space<vmem>>, %arg3: memref<4x128x128xf32, #tpu.memory_space<vmem>>, %arg4: memref<1x4xf32, #tpu.memory_space<vmem>>, %arg5: memref<128x8xf32, #tpu.memory_space<vmem>>, %arg6: memref<10000x8xf32, #tpu.memory_space<vmem>>) attributes {dimension_semantics = [], scalar_prefetch = 0 : i64, scratch_operands = 0 : i64, tpu.core_type = #tpu.core_type<tc>} {
    %get3A = arith.constant 0 : index
    %get3A_0 = arith.constant 0 : index
    %get3A_1 = vector.load %arg1[%get3A, %get3A_0] : memref<20480x16xf32, #tpu.memory_space<vmem>>, vector<10000x1xf32>
    %get3A_2 = arith.constant 10240 : index
    %get3A_3 = arith.constant 0 : index
    %get3A_4 = vector.load %arg1[%get3A_2, %get3A_3] : memref<20480x16xf32, #tpu.memory_space<vmem>>, vector<10000x1xf32>
    %add3A = arith.addf %get3A_1, %get3A_4 : vector<10000x1xf32>
    %max3A = arith.constant 1.000000e+00 : f32
    %max3A_5 = vector.broadcast %max3A : f32 to vector<10000x1xf32>
    %max3A_6 = arith.maximumf %add3A, %max3A_5 : vector<10000x1xf32>
    %get3A_7 = arith.constant 0 : index
    %get3A_8 = arith.constant 0 : index
    %get3A_9 = vector.load %arg0[%get3A_7, %get3A_8] : memref<20480x64xf32, #tpu.memory_space<vmem>>, vector<10000x64xf32>
    %get3A_10 = arith.constant 10240 : index
    %get3A_11 = arith.constant 0 : index
    %get3A_12 = vector.load %arg0[%get3A_10, %get3A_11] : memref<20480x64xf32, #tpu.memory_space<vmem>>, vector<10000x64xf32>
    %concatenate3A = tpu.concatenate %get3A_9, %get3A_12 in 1 : vector<10000x64xf32>, vector<10000x64xf32> -> vector<10000x128xf32>
    %div3A = vector.broadcast %max3A_6 : vector<10000x1xf32> to vector<10000x128xf32>
    %div3A_13 = arith.divf %concatenate3A, %div3A : vector<10000x128xf32>
    %get3A_14 = arith.constant 0 : index
    %get3A_15 = arith.constant 0 : index
    %get3A_16 = vector.load %arg2[%get3A_14, %get3A_15] : memref<10000x1xi32, #tpu.memory_space<vmem>>, vector<10000x1xi32>
    %broadcast_in_dim3A = arith.constant 0.000000e+00 : f32
    %broadcast_in_dim3A_17 = vector.broadcast %broadcast_in_dim3A : f32 to vector<10000x128xf32>
    %get3A_18 = arith.constant 0 : index
    %get3A_19 = arith.constant 0 : index
    %get3A_20 = arith.constant 0 : index
    %get3A_21 = vector.load %arg3[%get3A_18, %get3A_19, %get3A_20] : memref<4x128x128xf32, #tpu.memory_space<vmem>>, vector<1x128x128xf32>
    %get3A_22 = vector.shape_cast %get3A_21 : vector<1x128x128xf32> to vector<128x128xf32>
    %dot_general3A = arith.constant dense<0.000000e+00> : vector<10000x128xf32>
    %dot_general3A_23 = tpu.matmul %div3A_13, %get3A_22, %dot_general3A {dimension_numbers = #tpu.dot_dimension_numbers<[1], [0], [0], [1], [0, 0, 1, 1], [], []>, transpose_lhs_hint = false} : vector<10000x128xf32>, vector<128x128xf32>, vector<10000x128xf32> -> vector<10000x128xf32>
    %eq3A = arith.constant 0 : i32
    %eq3A_24 = vector.broadcast %eq3A : i32 to vector<10000x1xi32>
    %eq3A_25 = arith.cmpi eq, %get3A_16, %eq3A_24 : vector<10000x1xi32>
    %convert_element_type3A = arith.extui %eq3A_25 : vector<10000x1xi1> to vector<10000x1xi32>
    %convert_element_type3A_26 = arith.sitofp %convert_element_type3A : vector<10000x1xi32> to vector<10000x1xf32>
    %get3A_27 = arith.constant 0 : index
    %get3A_28 = arith.constant 0 : index
    %get3A_29 = vector.load %arg4[%get3A_27, %get3A_28] : memref<1x4xf32, #tpu.memory_space<vmem>>, vector<1x1xf32>
    %get3A_30 = vector.extract %get3A_29[0, 0] : f32 from vector<1x1xf32>
    %mul3A = vector.broadcast %convert_element_type3A_26 : vector<10000x1xf32> to vector<10000x128xf32>
    %mul3A_31 = arith.mulf %mul3A, %dot_general3A_23 : vector<10000x128xf32>
    %mul3A_32 = vector.broadcast %get3A_30 : f32 to vector<10000x128xf32>
    %mul3A_33 = arith.mulf %mul3A_32, %mul3A_31 : vector<10000x128xf32>
    %add3A_34 = arith.addf %broadcast_in_dim3A_17, %mul3A_33 : vector<10000x128xf32>
    %get3A_35 = arith.constant 1 : index
    %get3A_36 = arith.constant 0 : index
    %get3A_37 = arith.constant 0 : index
    %get3A_38 = vector.load %arg3[%get3A_35, %get3A_36, %get3A_37] : memref<4x128x128xf32, #tpu.memory_space<vmem>>, vector<1x128x128xf32>
    %get3A_39 = vector.shape_cast %get3A_38 : vector<1x128x128xf32> to vector<128x128xf32>
    %dot_general3A_40 = arith.constant dense<0.000000e+00> : vector<10000x128xf32>
    %dot_general3A_41 = tpu.matmul %div3A_13, %get3A_39, %dot_general3A_40 {dimension_numbers = #tpu.dot_dimension_numbers<[1], [0], [0], [1], [0, 0, 1, 1], [], []>, transpose_lhs_hint = false} : vector<10000x128xf32>, vector<128x128xf32>, vector<10000x128xf32> -> vector<10000x128xf32>
    %eq3A_42 = arith.constant 1 : i32
    %eq3A_43 = vector.broadcast %eq3A_42 : i32 to vector<10000x1xi32>
    %eq3A_44 = arith.cmpi eq, %get3A_16, %eq3A_43 : vector<10000x1xi32>
    %convert_element_type3A_45 = arith.extui %eq3A_44 : vector<10000x1xi1> to vector<10000x1xi32>
    %convert_element_type3A_46 = arith.sitofp %convert_element_type3A_45 : vector<10000x1xi32> to vector<10000x1xf32>
    %get3A_47 = arith.constant 0 : index
    %get3A_48 = arith.constant 1 : index
    %get3A_49 = vector.load %arg4[%get3A_47, %get3A_48] : memref<1x4xf32, #tpu.memory_space<vmem>>, vector<1x1xf32>
    %get3A_50 = vector.extract %get3A_49[0, 0] : f32 from vector<1x1xf32>
    %mul3A_51 = vector.broadcast %convert_element_type3A_46 : vector<10000x1xf32> to vector<10000x128xf32>
    %mul3A_52 = arith.mulf %mul3A_51, %dot_general3A_41 : vector<10000x128xf32>
    %mul3A_53 = vector.broadcast %get3A_50 : f32 to vector<10000x128xf32>
    %mul3A_54 = arith.mulf %mul3A_53, %mul3A_52 : vector<10000x128xf32>
    %add3A_55 = arith.addf %add3A_34, %mul3A_54 : vector<10000x128xf32>
    %get3A_56 = arith.constant 2 : index
    %get3A_57 = arith.constant 0 : index
    %get3A_58 = arith.constant 0 : index
    %get3A_59 = vector.load %arg3[%get3A_56, %get3A_57, %get3A_58] : memref<4x128x128xf32, #tpu.memory_space<vmem>>, vector<1x128x128xf32>
    %get3A_60 = vector.shape_cast %get3A_59 : vector<1x128x128xf32> to vector<128x128xf32>
    %dot_general3A_61 = arith.constant dense<0.000000e+00> : vector<10000x128xf32>
    %dot_general3A_62 = tpu.matmul %div3A_13, %get3A_60, %dot_general3A_61 {dimension_numbers = #tpu.dot_dimension_numbers<[1], [0], [0], [1], [0, 0, 1, 1], [], []>, transpose_lhs_hint = false} : vector<10000x128xf32>, vector<128x128xf32>, vector<10000x128xf32> -> vector<10000x128xf32>
    %eq3A_63 = arith.constant 2 : i32
    %eq3A_64 = vector.broadcast %eq3A_63 : i32 to vector<10000x1xi32>
    %eq3A_65 = arith.cmpi eq, %get3A_16, %eq3A_64 : vector<10000x1xi32>
    %convert_element_type3A_66 = arith.extui %eq3A_65 : vector<10000x1xi1> to vector<10000x1xi32>
    %convert_element_type3A_67 = arith.sitofp %convert_element_type3A_66 : vector<10000x1xi32> to vector<10000x1xf32>
    %get3A_68 = arith.constant 0 : index
    %get3A_69 = arith.constant 2 : index
    %get3A_70 = vector.load %arg4[%get3A_68, %get3A_69] : memref<1x4xf32, #tpu.memory_space<vmem>>, vector<1x1xf32>
    %get3A_71 = vector.extract %get3A_70[0, 0] : f32 from vector<1x1xf32>
    %mul3A_72 = vector.broadcast %convert_element_type3A_67 : vector<10000x1xf32> to vector<10000x128xf32>
    %mul3A_73 = arith.mulf %mul3A_72, %dot_general3A_62 : vector<10000x128xf32>
    %mul3A_74 = vector.broadcast %get3A_71 : f32 to vector<10000x128xf32>
    %mul3A_75 = arith.mulf %mul3A_74, %mul3A_73 : vector<10000x128xf32>
    %add3A_76 = arith.addf %add3A_55, %mul3A_75 : vector<10000x128xf32>
    %get3A_77 = arith.constant 3 : index
    %get3A_78 = arith.constant 0 : index
    %get3A_79 = arith.constant 0 : index
    %get3A_80 = vector.load %arg3[%get3A_77, %get3A_78, %get3A_79] : memref<4x128x128xf32, #tpu.memory_space<vmem>>, vector<1x128x128xf32>
    %get3A_81 = vector.shape_cast %get3A_80 : vector<1x128x128xf32> to vector<128x128xf32>
    %dot_general3A_82 = arith.constant dense<0.000000e+00> : vector<10000x128xf32>
    %dot_general3A_83 = tpu.matmul %div3A_13, %get3A_81, %dot_general3A_82 {dimension_numbers = #tpu.dot_dimension_numbers<[1], [0], [0], [1], [0, 0, 1, 1], [], []>, transpose_lhs_hint = false} : vector<10000x128xf32>, vector<128x128xf32>, vector<10000x128xf32> -> vector<10000x128xf32>
    %eq3A_84 = arith.constant 3 : i32
    %eq3A_85 = vector.broadcast %eq3A_84 : i32 to vector<10000x1xi32>
    %eq3A_86 = arith.cmpi eq, %get3A_16, %eq3A_85 : vector<10000x1xi32>
    %convert_element_type3A_87 = arith.extui %eq3A_86 : vector<10000x1xi1> to vector<10000x1xi32>
    %convert_element_type3A_88 = arith.sitofp %convert_element_type3A_87 : vector<10000x1xi32> to vector<10000x1xf32>
    %get3A_89 = arith.constant 0 : index
    %get3A_90 = arith.constant 3 : index
    %get3A_91 = vector.load %arg4[%get3A_89, %get3A_90] : memref<1x4xf32, #tpu.memory_space<vmem>>, vector<1x1xf32>
    %get3A_92 = vector.extract %get3A_91[0, 0] : f32 from vector<1x1xf32>
    %mul3A_93 = vector.broadcast %convert_element_type3A_88 : vector<10000x1xf32> to vector<10000x128xf32>
    %mul3A_94 = arith.mulf %mul3A_93, %dot_general3A_83 : vector<10000x128xf32>
    %mul3A_95 = vector.broadcast %get3A_92 : f32 to vector<10000x128xf32>
    %mul3A_96 = arith.mulf %mul3A_95, %mul3A_94 : vector<10000x128xf32>
    %add3A_97 = arith.addf %add3A_76, %mul3A_96 : vector<10000x128xf32>
    %get3A_98 = arith.constant 0 : index
    %get3A_99 = arith.constant 0 : index
    %get3A_100 = vector.load %arg5[%get3A_98, %get3A_99] : memref<128x8xf32, #tpu.memory_space<vmem>>, vector<128x8xf32>
    %dot_general3A_101 = arith.constant dense<0.000000e+00> : vector<10000x8xf32>
    %dot_general3A_102 = tpu.matmul %add3A_97, %get3A_100, %dot_general3A_101 {dimension_numbers = #tpu.dot_dimension_numbers<[1], [0], [0], [1], [0, 0, 1, 1], [], []>, transpose_lhs_hint = false} : vector<10000x128xf32>, vector<128x8xf32>, vector<10000x8xf32> -> vector<10000x8xf32>
    %swap3A = arith.constant 0 : index
    %swap3A_103 = arith.constant 0 : index
    %swap3A_104 = vector.load %arg6[%swap3A, %swap3A_103] : memref<10000x8xf32, #tpu.memory_space<vmem>>, vector<10000x8xf32>
    tpu.vector_store %arg6[%swap3A, %swap3A_103], %dot_general3A_102 {strides = array<i32>} : memref<10000x8xf32, #tpu.memory_space<vmem>>, vector<10000x8xf32>,
    return
  }
}

</mosaic_0001>

<sc_bundles>
// kernel: kernel.5.cloned.1.call-start
scs
__scs_entry_jumppad:
0x0: {  	(pc) =	sbr.rel $0x88, $3  }
0x1: {  	(tag) =	ssettag $0x0;
	lr =	simm.s32 $0x1  }
0x2: {  	[smem:$0x3F99] =	sst lr;
	_ =	strace $0xD0000000  }
0x3: {  	_ = 	snop  }
0x4: {  	_ = 	snop  }
0x5: {  	_ = 	snop  }
0x6: {  	_ = 	snop  }
0x7: {  	_ = 	snop  }
__scs_overlays_trampoline_lowered:
0x8: {  	[smem:$0x3FA8] =	sst s0  }
0x9: {  	[smem:$0x3FA9] =	sst s1  }
0xa: {  	[smem:$0x3FAA] =	sst s2  }
0xb: {  	[smem:$0x3FAB] =	sst s3  }
0xc: {  	[smem:$0x3FAC] =	sst s4  }
0xd: {  	[smem:$0x3FAD] =	sst s5  }
0xe: {  	[smem:$0x3FAE] =	sst s6  }
0xf: {  	[smem:$0x3FAF] =	sst s7  }
0x10: {  	[smem:$0x3FB0] =	sst s8  }
0x11: {  	[smem:$0x3FB1] =	sst s9;
	s0 =	simm.s32 @!p0 $0x0  }
0x12: {  	s1 =	sld [smem:$0x3F97];
	s0 =	simm.s32 @p0 $0x1  }
0x13: {  	[smem:$0x3FB2] =	sst s0;
	s0 =	simm.s32 @!p1 $0x0  }
0x14: {  	s2 =	sld [smem:$0x3F96];
	s0 =	simm.s32 @p1 $0x1  }
0x15: {  	[smem:$0x3FB3] =	sst s0;
	s0 =	simm.s32 @!p2 $0x0  }
0x16: {  	s3 =	sld [smem:$0x3FDB];
	s0 =	simm.s32 @p2 $0x1  }
0x17: {  	s4 =	simm.s32 $0x1BF5;
	[smem:$0x3FB5] =	sst s0  }
0x18: {  	s0 =	sld [smem:$0x3F98];
	_ =	swait.ge [sflag:s4], $0x0  }
0x19: {  	s7 =	sld [smem:$0x3F99]  }
0x1a: {  	s8 =	sadd.s32 $0xFFFFE003, lr  }
0x1b: {  	s9 =	sadd.s32 $0xFFFFFEF7, lr;
	s5 =	simm.s32 $0xFFFFFFFF;
	p2 =	slt.u32 s8, $0xFFFFF086  }
0x1c: {  	p1 =	slt.u32 s9, $0xF7A;
	s5 =	simm.s32 @!p2 $0x0  }
0x1d: {  	s5 =	simm.s32 @p1 $0x1;
	p0 =	seq.s32 s7, s2  }
0x1e: {  	s7 =	smul.u32 @!p0 $0xF7A, s2;
	p2 =	seq.s32 @!p0 s5, $0x0  }
0x1f: {  	s9 =	smul.u32 $0xF7A, s1;
	s8 =	simm.s32 @!p0 $0x1BF5;
	p2 =	por !p2, p0  }
0x20: {  	[sflag:s8] =	ssyncset.s32 @!p0 $0xFFFFF086;
	s6 =	sadd.s32 @!p0 s3, s7;
	s7 =	simm.s32 @!p0 $0x108  }
0x21: {  	s3 =	sadd.s32 s3, s9;
	s6 =	sadd.s32 @!p0 $0x88, s6;
	s7 =	simm.s32 @p2 $0x1082  }
0x22: {  	[simem:s7], [sflag:s8] =	dma.local @!p0 [hbm:s6], $0xF7A  }
0x23: {  	s9 =	sor.u32 $0xD0000000, s2;
	s6 =	simm.s32 $0x108;
	_ =	swait.ge @!p0 [sflag:s8], $0x0  }
0x24: {  	s3 =	sadd.s32 $0x88, s3;
	s6 =	simm.s32 @!p1 $0x1082;
	[sflag:s4] =	ssyncset.s32 $0xFFFFF086  }
0x25: {  	[simem:s6], [sflag:s4] =	dma.local [hbm:s3], $0xF7A  }
0x26: {  	[smem:$0x3F99] =	sst s1;
	(tag) =	ssettag s2;
	_ =	strace s9  }
0x27: {  	s1 =	sld [smem:$0x3FA9]  }
0x28: {  	s2 =	sld [smem:$0x3FAA]  }
0x29: {  	s4 =	sld [smem:$0x3FAC]  }
0x2a: {  	p0 =	seq.s32 s5, $0x0;
	s5 =	sld [smem:$0x3FAD]  }
0x2b: {  	s6 =	sld [smem:$0x3FAE]  }
0x2c: {  	s7 =	sld [smem:$0x3FAF]  }
0x2d: {  	s3 =	simm.s32 $0x108;
	s8 =	sld [smem:$0x3FB0]  }
0x2e: {  	s3 =	simm.s32 @!p0 $0x1082;
	s9 =	sld [smem:$0x3FB1]  }
0x2f: {  	lr =	sadd.s32 s0, s3;
	s0 =	sld [smem:$0x3FA8]  }
0x30: {  	s3 =	sld [smem:$0x3FAB]  }
0x31: {  	[smem:$0x3FB4] =	sst s10  }
0x32: {  	s10 =	sld [smem:$0x3FB2];
	_ =	sdelay $0x3  }
0x33: {  	p0 =	seq.s32 s10, $0x1;
	s10 =	sld [smem:$0x3FB4];
	_ =	sdelay $0x3  }
0x34: {  	[smem:$0x3FB4] =	sst s10  }
0x35: {  	s10 =	sld [smem:$0x3FB3];
	_ =	sdelay $0x3  }
0x36: {  	p1 =	seq.s32 s10, $0x1;
	s10 =	sld [smem:$0x3FB4];
	_ =	sdelay $0x3  }
0x37: {  	[smem:$0x3FB4] =	sst s10  }
0x38: {  	s10 =	sld [smem:$0x3FB5]  }
0x39: {  	_ = 	snop;
	(pc) =	sbr.ind lr, $3  }
0x3a: {  	_ = 	snop  }
0x3b: {  	_ = 	snop  }
0x3c: {  	p2 =	seq.s32 s10, $0x1;
	s10 =	sld [smem:$0x3FB4]  }
0x3d: {  	_ =	shalt  }
0x3e: {  	_ =	shalt  }
0x3f: {  	_ =	shalt  }
0x40: {  	_ =	shalt  }
0x41: {  	_ =	shalt  }
0x42: {  	_ =	shalt  }
0x43: {  	_ =	shalt  }
0x44: {  	_ =	shalt  }
0x45: {  	_ =	shalt  }
0x46: {  	_ =	shalt  }
0x47: {  	_ =	shalt  }
0x48: {  	_ =	shalt  }
0x49: {  	_ =	shalt  }
0x4a: {  	_ =	shalt  }
0x4b: {  	_ =	shalt  }
0x4c: {  	_ =	shalt  }
0x4d: {  	_ =	shalt  }
0x4e: {  	_ =	shalt  }
0x4f: {  	_ =	shalt  }
0x50: {  	_ =	shalt  }
0x51: {  	_ =	shalt  }
0x52: {  	_ =	shalt  }
0x53: {  	_ =	shalt  }
0x54: {  	_ =	shalt  }
0x55: {  	_ =	shalt  }
0x56: {  	_ =	shalt  }
0x57: {  	_ =	shalt  }
0x58: {  	_ =	shalt  }
0x59: {  	_ =	shalt  }
0x5a: {  	_ =	shalt  }
0x5b: {  	_ =	shalt  }
0x5c: {  	_ =	shalt  }
0x5d: {  	_ =	shalt  }
0x5e: {  	_ =	shalt  }
0x5f: {  	_ =	shalt  }
0x60: {  	_ =	shalt  }
0x61: {  	_ =	shalt  }
0x62: {  	_ =	shalt  }
0x63: {  	_ =	shalt  }
0x64: {  	_ =	shalt  }
0x65: {  	_ =	shalt  }
0x66: {  	_ =	shalt  }
0x67: {  	_ =	shalt  }
0x68: {  	_ =	shalt  }
0x69: {  	_ =	shalt  }
0x6a: {  	_ =	shalt  }
0x6b: {  	_ =	shalt  }
0x6c: {  	_ =	shalt  }
0x6d: {  	_ =	shalt  }
0x6e: {  	_ =	shalt  }
0x6f: {  	_ =	shalt  }
0x70: {  	_ =	shalt  }
0x71: {  	_ =	shalt  }
0x72: {  	_ =	shalt  }
0x73: {  	_ =	shalt  }
0x74: {  	_ =	shalt  }
0x75: {  	_ =	shalt  }
0x76: {  	_ =	shalt  }
0x77: {  	_ =	shalt  }
0x78: {  	_ =	shalt  }
0x79: {  	_ =	shalt  }
0x7a: {  	_ =	shalt  }
0x7b: {  	_ =	shalt  }
0x7c: {  	_ =	shalt  }
0x7d: {  	_ =	shalt  }
0x7e: {  	_ =	shalt  }
0x7f: {  	_ =	shalt  }
0x80: {  	_ =	shalt  }
0x81: {  	_ =	shalt  }
0x82: {  	_ =	shalt  }
0x83: {  	_ =	shalt  }
0x84: {  	_ =	shalt  }
0x85: {  	_ =	shalt  }
0x86: {  	_ =	shalt  }
0x87: {  	_ =	shalt  }
.Lfunc_end0:
.L_simem_size_0:
called_computation_lowered:
.L_overlay_start_0:
0x88: {  	s2 =	sld [smem:$0x3FD9]  }
0x89: {  	s3 =	sld [smem:$0x3FFE];
	_ =	sdelay $0x1  }
0x8a: {  	s1 =	srdreg.scid  }
0x8b: {  	s0 =	sand.u32 $0x1, s1  }
0x8c: {  	s17 =	sshll.u32 s0, $0xA;
	s2 =	sadd.s32 s3, s2  }
0x8d: {  	s2 =	sadd.s32 s2, s17  }
0x8e: {  	[smem:$0x3FC0] =	sst s2  }
0x8f: {  	_ = 	snop  }
0x90: {  	s2 =	sld [smem:$0x3FD0];
	(tm) =	ssettm $0x1  }
0x91: {  	s18 =	sld [smem:$0x3FFB];
	_ =	sdelay $0x3  }
0x92: {  	_ =	strace s18  }
0x93: {  	s3 =	sld [smem:$0x3FFC];
	_ =	sdelay $0x3  }
0x94: {  	_ =	strace s3  }
0x95: {  	s3 =	sld [smem:$0x3FFD];
	_ =	sdelay $0x3  }
0x96: {  	_ =	strace s3  }
0x97: {  	_ =	strace $0x8FFFFFFF  }
0x98: {  	s19 =	sld [smem:$0x3FDB];
	_ =	sdelay $0x1  }
0x99: {  	s4 =	simm.s32 $_scs_section_size  }
0x9a: {  	s5 =	simm.s32 $_size__tile_overlayer_lowered;
	s6 =	simm.s32 $_tile_overlayer_lowered  }
0x9b: {  	s22 =	simm.s32 $0x1BFF;
	s21 =	sshll.u32 s6, $0x1;
	s3 =	sadd.s32 s4, s19  }
0x9c: {  	s7 =	simm.s32 $0x0;
	s20 =	sshll.u32 s5, $0x1;
	s5 =	sadd.s32 s21, s3  }
0x9d: {  	[timem:s7], [sflag:s22] =	dma.local [hbm:s5], s20  }
0x9e: {  	_ =	swait.ge [sflag:s22], s20  }
0x9f: {  	s4 =	ssub.s32 $0x0, s20;
	[sflag:s22] =	ssyncset.done $0x0  }
0xa0: {  	[sflag:s22] =	ssyncadd.s32 s4;
	_ =	sdelay $0x1  }
0xa1: {  	s23 =	simm.s32 $0x1B8B  }
0xa2: {  	_ =	swait.ge [sflag:s23], $0x1  }
0xa3: {  	[sflag:s23] =	ssyncset.done $0x0  }
0xa4: {  	s25 =	simm.s32 $0x1B8E;
	s24 =	sld [smem:$0x3FFE];
	[sflag:s23] =	ssyncadd.s32 $0xFFFFFFFF  }
0xa5: {  	s26 =	simm.s32 $execute0_lowered;
	[smem:$0x3FD2] =	sst s25  }
0xa6: {  	s5 =	sshll.u32 s26, $0x1;
	_ =	strace $0x80000046;
	[dreg:$0x1] =	wrdreg $0xFFFFFFFF  }
0xa7: {  	s28 =	simm.s32 $_size_execute0_lowered;
	s3 =	sadd.s32 s3, s5;
	[dreg:$0x0] =	wrdreg $0x0  }
0xa8: {  	s5 =	sshll.u32 s28, $0x1;
	[dreg:$0x2] =	wrdreg s3  }
0xa9: {  	[dreg:$0x3] =	wrdreg s5  }
0xaa: {  	[dreg:$0x4] =	wrdreg $0xC0  }
0xab: {  	_ =	task [dreg:s7], $0x5FFFF  }
0xac: {  	[dreg:$0x1] =	wrdreg $0xFFFFFFFF  }
0xad: {  	[dreg:$0x0] =	wrdreg $0x60  }
0xae: {  	[dreg:$0x2] =	wrdreg s24  }
0xaf: {  	[dreg:$0x3] =	wrdreg s2  }
0xb0: {  	[dreg:$0x4] =	wrdreg $0x124D00  }
0xb1: {  	[dreg:$0x5] =	wrdreg $0x1C4D00  }
0xb2: {  	[dreg:$0x6] =	wrdreg $0x9  }
0xb3: {  	_ =	task.clear_ibuf [dreg:s7], $0x7FFFF;
	_ =	strace $0x90000046  }
0xb4: {  	s29 =	simm.s32 $0x9;
	_ =	strace $0x80000048  }
0xb5: {  	_ =	swait.ge [sflag:s29], $0x1  }
0xb6: {  	[sflag:s29] =	ssyncadd.s32 $0xFFFFFFFF  }
0xb7: {  	_ =	strace $0x90000048  }
0xb8: {  	_ =	sfence  }
0xb9: {  	s30 =	sld [smem:$0x0];
	_ =	sdelay $0x2  }
0xba: {  	s31 =	sshll.u32 s1, $0xD;
	s1 =	sshrl.u32 s1, $0x2  }
0xbb: {  	s3 =	sand.u32 $0x4000, s31;
	s1 =	sadd.s32 s1, s30  }
0xbc: {  	s0 =	sor.u32 s3, s0;
	s1 =	sshll.u32 s1, $0x11  }
0xbd: {  	s0 =	sor.u32 s1, s0  }
0xbe: {  	s0 =	sadd.s32 $0x8F2B, s0  }
0xbf: {  	[sflag:s0] =	ssyncadd.remote.s32 $0x1  }
0xc0: {  	_ =	sfence.sel $0xFFFF  }
0xc1: {  	[dreg:$0x0] =	wrdreg $0xFFFFFFFF;
	(pc) =	sbr.abs _section_cstart, $3  }
0xc2: {  	[dreg:$0x1] =	wrdreg $0xFFFFFFFF  }
0xc3: {  	_ =	task.clear_ibuf [dreg:s7], $0x2FFFF;
	_ =	strace $0x9FFFFFFF  }
0xc4: {  	(tm) =	ssettm $0x7FFFFFFF  }
0xc5: {  	_ =	shalt  }
tec
execute0_lowered:
.L_overlay_start_1:
0x0: {  	(tag) =	ssettag $0x1  }
0x1: {  	s0 =	rddreg [dreg:$0x0]  }
0x2: {  	s3 =	rddreg [dreg:$0x2];
	s1 =	srdreg.scid  }
0x3: {  	s4 =	rddreg [dreg:$0x3];
	s13 =	stileid.u32  }
0x4: {  	s5 =	simm.s32 $0x0;
	s18 =	simm.s32 $0xA;
	s29 =	simm.s32 $0xDE80  }
0x5: {  	s30 =	simm.s32 $0x2;
	s31 =	simm.s32 $0x4;
	s7 =	smul.u32 $0xA00, s13  }
0x6: {  	s28 =	simm.s32 $0x8;
	s1 =	sand.u32 $0x1, s1;
	s8 =	smul.u32 $0x280, s13  }
0x7: {  	[smem:$0x7FF] =	sst s5;
	s6 =	sadd.s32 $0x1F600, s0;
	s20 =	smul.u32 $0x28000, s13  }
0x8: {  	s10 =	sadd.s32 $0x46A00, s0;
	s19 =	sadd.s32 $0x46800, s0;
	s12 =	smul.u32 $0xA000, s13  }
0x9: {  	s23 =	sshll.u32 s13, $0x6;
	s2 =	smul.u32 $0xA000, s1;
	_ =	strace $0x80000047  }
0xa: {  	s9 =	smul.u32 $0x2800, s1;
	[dreg:$0x5] =	wrdreg s10;
	s21 =	ssub.s32 $0x2, s1  }
0xb: {  	[dreg:$0x6] =	wrdreg s19;
	p0 =	sne.s32 s1, $0x0;
	s22 =	sshrl.u32 s21, $0x1  }
0xc: {  	s10 =	sshrl.u32 s20, $0x2;
	s12 =	sshrl.u32 s12, $0x2;
	s20 =	simm.s32 $0x6  }
0xd: {  	s2 =	sadd.s32 s7, s2;
	s7 =	sadd.s32 s7, s0;
	s8 =	sadd.s32 s8, s9  }
0xe: {  	s14 =	sadd.s32 s10, s3;
	s10 =	smul.u32 $0x50, s1;
	s12 =	sadd.s32 s12, s4  }
0xf: {  	s1 =	simm.s32 $0x7;
	s2 =	sadd.s32 s2, s0;
	s9 =	sshll.u32 s8, $0x3  }
0x10: {  	s8 =	sshll.u32 s8, $0x1;
	s24 =	sadd.s32 $0x1600, s7;
	s17 =	sshrl.u32 s14, $0x3  }
0x11: {  	s19 =	sshrl.u32 s12, $0x3;
	s7 =	simm.s32 $0x9;
	s11 =	sadd.s32 s9, s0  }
0x12: {  	s0 =	sadd.s32 s8, s0;
	s8 =	ssub.s32 s21, s22;
	s9 =	sor.u32 $0x1C0A, s23  }
0x13: {  	s2 =	sadd.s32 $0xB600, s2;
	[dreg:$0x8] =	wrdreg s24;
	s13 =	sadd.s32 $0x50, s10  }
0x14: {  	s22 =	simm.s32 $0x7D;
	[dreg:$0x7] =	wrdreg s2;
	s25 =	sadd.s32 $0x47000, s11  }
0x15: {  	s23 =	simm.s32 $0xA000;
	s0 =	sadd.s32 $0x6F000, s0;
	[dreg:$0x9] =	wrdreg s25  }
0x16: {  	s24 =	simm.s32 $0x5;
	s26 =	smax.u32 s8, $0x1;
	[dreg:$0xa] =	wrdreg s0  }
0x17: {  	s2 =	simm.s32 $0xFDC0;
	s8 =	simm.s32 $0x0;
	[dreg:$0xb] =	wrdreg s26  }
0x18: {  	s25 =	simm.s32 $0xBF40;
	s26 =	simm.s32 $0x1;
	s0 =	simm.s32 $0x3  }
.LBB2_1:
0x19: {  	s11 =	rddreg [dreg:$0x1]  }
0x1a: {  	[spmem:s17], [sflag:s9] =	dma.local [hbm:s11], $0x1400  }
0x1b: {  	_ =	swait.ge [sflag:s18], $0x1400  }
0x1c: {  	[sflag:s18] =	ssyncset.done $0x0  }
0x1d: {  	s16 =	rddreg [dreg:$0x5];
	[sflag:s18] =	ssyncadd.s32 $0xFFFFEC00  }
0x1e: {  	[spmem:s19], [sflag:s9] =	dma.local [hbm:s16], $0x500  }
0x1f: {  	_ =	swait.ge [sflag:s18], $0x500  }
0x20: {  	[sflag:s18] =	ssyncset.done $0x0  }
0x21: {  	s12 =	simm.s32 $0x11D00;
	s21 =	rddreg [dreg:$0x6];
	[sflag:s18] =	ssyncadd.s32 $0xFFFFFB00  }
0x22: {  	[tilespmem:s12], [sflag:$0xA] =	stream.linear.gather [hbm4b:s21+s5], $0x7D0, $0x38;
	[tilespmem:$0x1ECD0] =	vst v63  }
0x23: {  	_ =	swait.ge [sflag:s18], $0x7D0  }
0x24: {  	[sflag:s18] =	ssyncset.done $0x0  }
0x25: {  	s12 =	rddreg [dreg:$0x7];
	[sflag:s18] =	ssyncadd.s32 $0xFFFFF830  }
0x26: {  	[tilespmem:s5], [sflag:$0xA] =	stream.linear.gather [hbm4b:s12+s5], $0x5000, $0x38;
	[tilespmem:$0x1ECD0] =	vst v63  }
0x27: {  	_ =	swait.ge [sflag:s18], $0x5000  }
0x28: {  	[sflag:s18] =	ssyncset.done $0x0  }
0x29: {  	s15 =	simm.s32 $0x5000;
	s14 =	rddreg [dreg:$0x8];
	[sflag:s18] =	ssyncadd.s32 $0xFFFFB000  }
0x2a: {  	[tilespmem:s15], [sflag:$0xA] =	stream.linear.gather [hbm4b:s14+s5], $0x5000, $0x38;
	[tilespmem:$0x1ECD0] =	vst v63  }
0x2b: {  	_ =	swait.ge [sflag:s18], $0x5000  }
0x2c: {  	[sflag:s18] =	ssyncset.done $0x0  }
0x2d: {  	[sflag:s18] =	ssyncadd.s32 $0xFFFFB000  }
0x2e: {  	[bflag:$0x0] =	sbarrier.arrive $0xFFFF  }
0x2f: {  	[tilespmem:s23], [sflag:$0x1] =	stream.indirect.gather [hbm4b:s6+s22], $0x40, s5, s22, $0xb8;
	[tilespmem:$0x1ECD0] =	vst v63  }
0x30: {  	s16 =	simm.s32 $0x80  }
0x31: {  	[tilespmem:s25], [sflag:$0x2] =	stream.indirect.gather [hbm4b:s6+s22], $0x40, s16, s22, $0xb8;
	[tilespmem:$0x1ECD0] =	vst v63  }
0x32: {  	_ =	swait.ge [sflag:s26], $0x1F40  }
0x33: {  	[sflag:s26] =	ssyncset.done $0x0  }
0x34: {  	[sflag:s26] =	ssyncadd.s32 $0xFFFFE0C0  }
0x35: {  	[spmem:s3] =	stream.indirect.scatter.add.f32 [tilespmem:s23], [sflag:$0x5], $0x40, s15, s22, $0xb8;
	[tilespmem:$0x1ECD0] =	vst v63  }
0x36: {  	s11 =	simm.s32 @!p0 $0x7D;
	s12 =	simm.s32 @!p0 $0x5000;
	s14 =	simm.s32 @!p0 $0x11D00  }
0x37: {  	[spmem:s4] =	stream.indirect.scatter.add.f32 @!p0 [tilespmem:s14], [sflag:$0x9], $0x10, s12, s11, $0xb8;
	[tilespmem:$0x1ECD0] =	vst v63  }
0x38: {  	s21 =	simm.s32 $0x100  }
0x39: {  	[tilespmem:s29], [sflag:$0x3] =	stream.indirect.gather [hbm4b:s6+s22], $0x40, s21, s22, $0xb8;
	[tilespmem:$0x1ECD0] =	vst v63  }
0x3a: {  	_ =	swait.ge [sflag:s30], $0x1F40  }
0x3b: {  	[sflag:s30] =	ssyncset.done $0x0  }
0x3c: {  	s15 =	simm.s32 $0x5080;
	[sflag:s30] =	ssyncadd.s32 $0xFFFFE0C0  }
0x3d: {  	[spmem:s3] =	stream.indirect.scatter.add.f32 [tilespmem:s25], [sflag:$0x6], $0x40, s15, s22, $0xb8;
	[tilespmem:$0x1ECD0] =	vst v63  }
0x3e: {  	s12 =	simm.s32 @!p0 $0x5080  }
0x3f: {  	[spmem:s4] =	stream.indirect.scatter.add.f32 @!p0 [tilespmem:s14], [sflag:$0x9], $0x10, s12, s11, $0xb8;
	[tilespmem:$0x1ECD0] =	vst v63  }
0x40: {  	s16 =	simm.s32 $0x180  }
0x41: {  	[tilespmem:s2], [sflag:$0x4] =	stream.indirect.gather [hbm4b:s6+s22], $0x40, s16, s22, $0xb8;
	[tilespmem:$0x1ECD0] =	vst v63  }
0x42: {  	_ =	swait.ge [sflag:s0], $0x1F40  }
0x43: {  	[sflag:s0] =	ssyncset.done $0x0  }
0x44: {  	s21 =	simm.s32 $0x5100;
	[sflag:s0] =	ssyncadd.s32 $0xFFFFE0C0  }
0x45: {  	[spmem:s3] =	stream.indirect.scatter.add.f32 [tilespmem:s29], [sflag:$0x7], $0x40, s21, s22, $0xb8;
	[tilespmem:$0x1ECD0] =	vst v63  }
0x46: {  	s12 =	simm.s32 @!p0 $0x5100  }
0x47: {  	[spmem:s4] =	stream.indirect.scatter.add.f32 @!p0 [tilespmem:s14], [sflag:$0x9], $0x10, s12, s11, $0xb8;
	[tilespmem:$0x1ECD0] =	vst v63  }
0x48: {  	_ =	swait.ge [sflag:s24], $0x1F40  }
0x49: {  	[sflag:s24] =	ssyncset.done $0x0  }
0x4a: {  	s15 =	simm.s32 $0x200;
	[sflag:s24] =	ssyncadd.s32 $0xFFFFE0C0  }
0x4b: {  	[tilespmem:s23], [sflag:$0x1] =	stream.indirect.gather [hbm4b:s6+s22], $0x40, s15, s22, $0xb8;
	[tilespmem:$0x1ECD0] =	vst v63  }
0x4c: {  	_ =	swait.ge [sflag:s31], $0x1F40  }
0x4d: {  	[sflag:s31] =	ssyncset.done $0x0  }
0x4e: {  	s16 =	simm.s32 $0x5180;
	[sflag:s31] =	ssyncadd.s32 $0xFFFFE0C0  }
0x4f: {  	[spmem:s3] =	stream.indirect.scatter.add.f32 [tilespmem:s2], [sflag:$0x8], $0x40, s16, s22, $0xb8;
	[tilespmem:$0x1ECD0] =	vst v63  }
0x50: {  	s12 =	simm.s32 @!p0 $0x5180  }
0x51: {  	[spmem:s4] =	stream.indirect.scatter.add.f32 @!p0 [tilespmem:s14], [sflag:$0x9], $0x10, s12, s11, $0xb8;
	[tilespmem:$0x1ECD0] =	vst v63  }
0x52: {  	_ =	swait.ge [sflag:s20], $0x1F40  }
0x53: {  	s21 =	simm.s32 $0x280;
	[sflag:s20] =	ssyncset.done $0x0  }
0x54: {  	s11 =	simm.s32 $0x7;
	s12 =	simm.s32 $0x0;
	[sflag:s20] =	ssyncadd.s32 $0xFFFFE0C0  }
0x55: {  	[tilespmem:s25], [sflag:$0x2] =	stream.indirect.gather [hbm4b:s6+s22], $0x40, s21, s22, $0xb8;
	[tilespmem:$0x1ECD0] =	vst v63  }
.LBB2_2:
0x56: {  	_ =	swait.ge [sflag:s26], $0x1F40;
	s15 =	sadd.s32 $0xFFFFFFFD, s11  }
0x57: {  	s14 =	sshra.s32 s12, $0x2;
	[sflag:s26] =	ssyncset.done $0x0;
	p1 =	slt.u32 s15, s10  }
0x58: {  	s16 =	sadd.s32 $0x5200, s14;
	[sflag:s26] =	ssyncadd.s32 $0xFFFFE0C0;
	p2 =	sge.u32 @!p1 s15, s13  }
0x59: {  	[spmem:s3] =	stream.indirect.scatter.add.f32 [tilespmem:s23], [sflag:$0x5], $0x40, s16, s22, $0xb8;
	[tilespmem:$0x1ECD0] =	vst v63  }
0x5a: {  	p1 =	por p2, p1  }
0x5b: {  	s15 =	simm.s32 @!p1 $0x7D;
	s21 =	simm.s32 @!p1 $0x11D00  }
0x5c: {  	[spmem:s4] =	stream.indirect.scatter.add.f32 @!p1 [tilespmem:s21], [sflag:$0x9], $0x10, s16, s15, $0xb8;
	[tilespmem:$0x1ECD0] =	vst v63  }
0x5d: {  	_ =	swait.ge [sflag:s1], $0x1F40  }
0x5e: {  	[sflag:s1] =	ssyncset.done $0x0  }
0x5f: {  	s16 =	sadd.s32 $0x300, s14;
	s15 =	sadd.s32 $0xFFFFFFFE, s11;
	[sflag:s1] =	ssyncadd.s32 $0xFFFFE0C0  }
0x60: {  	[tilespmem:s29], [sflag:$0x3] =	stream.indirect.gather [hbm4b:s6+s22], $0x40, s16, s22, $0xb8;
	[tilespmem:$0x1ECD0] =	vst v63  }
0x61: {  	p1 =	slt.u32 s15, s10;
	_ =	swait.ge [sflag:s30], $0x1F40  }
0x62: {  	p2 =	sge.u32 @!p1 s15, s13;
	[sflag:s30] =	ssyncset.done $0x0  }
0x63: {  	p1 =	por p2, p1;
	s16 =	sadd.s32 $0x5280, s14;
	[sflag:s30] =	ssyncadd.s32 $0xFFFFE0C0  }
0x64: {  	[spmem:s3] =	stream.indirect.scatter.add.f32 [tilespmem:s25], [sflag:$0x6], $0x40, s16, s22, $0xb8;
	[tilespmem:$0x1ECD0] =	vst v63  }
0x65: {  	s15 =	simm.s32 @!p1 $0x7D;
	s21 =	simm.s32 @!p1 $0x11D00  }
0x66: {  	[spmem:s4] =	stream.indirect.scatter.add.f32 @!p1 [tilespmem:s21], [sflag:$0x9], $0x10, s16, s15, $0xb8;
	[tilespmem:$0x1ECD0] =	vst v63  }
0x67: {  	_ =	swait.ge [sflag:s28], $0x1F40  }
0x68: {  	[sflag:s28] =	ssyncset.done $0x0  }
0x69: {  	s21 =	sadd.s32 $0x380, s14;
	s15 =	sadd.s32 $0xFFFFFFFF, s11;
	[sflag:s28] =	ssyncadd.s32 $0xFFFFE0C0  }
0x6a: {  	[tilespmem:s2], [sflag:$0x4] =	stream.indirect.gather [hbm4b:s6+s22], $0x40, s21, s22, $0xb8;
	[tilespmem:$0x1ECD0] =	vst v63  }
0x6b: {  	p1 =	slt.u32 s15, s10;
	_ =	swait.ge [sflag:s0], $0x1F40  }
0x6c: {  	p2 =	sge.u32 @!p1 s15, s13;
	[sflag:s0] =	ssyncset.done $0x0  }
0x6d: {  	s16 =	sadd.s32 $0x5300, s14;
	p1 =	por p2, p1;
	[sflag:s0] =	ssyncadd.s32 $0xFFFFE0C0  }
0x6e: {  	[spmem:s3] =	stream.indirect.scatter.add.f32 [tilespmem:s29], [sflag:$0x7], $0x40, s16, s22, $0xb8;
	[tilespmem:$0x1ECD0] =	vst v63  }
0x6f: {  	s15 =	simm.s32 @!p1 $0x7D;
	s21 =	simm.s32 @!p1 $0x11D00  }
0x70: {  	[spmem:s4] =	stream.indirect.scatter.add.f32 @!p1 [tilespmem:s21], [sflag:$0x9], $0x10, s16, s15, $0xb8;
	[tilespmem:$0x1ECD0] =	vst v63  }
0x71: {  	p1 =	seq.s32 s12, $0x13000  }
0x72: {  	s15 =	simm.s32 @!p1 $0x5  }
0x73: {  	_ =	swait.ge @!p1 [sflag:s15], $0x1F40  }
0x74: {  	[sflag:s15] =	ssyncset.done @!p1 $0x0  }
0x75: {  	[sflag:s15] =	ssyncadd.s32 @!p1 $0xFFFFE0C0;
	s15 =	sshra.s32 @!p1 s12, $0x2  }
0x76: {  	s16 =	simm.s32 @!p1 $0x7D;
	s21 =	simm.s32 @!p1 $0xA000;
	s15 =	sadd.s32 @!p1 $0x400, s15  }
0x77: {  	[tilespmem:s21], [sflag:$0x1] =	stream.indirect.gather @!p1 [hbm4b:s6+s16], $0x40, s15, s16, $0xb8;
	[tilespmem:$0x1ECD0] =	vst v63  }
0x78: {  	p2 =	slt.u32 s11, s10;
	_ =	swait.ge [sflag:s31], $0x1F40  }
.Ltmp0:
0x79: {  	p3 =	sge.u32 @!p2 s11, s13;
	[sflag:s31] =	ssyncset.done $0x0;
	(pc) =	sbr.rel @p1 .LBB2_4-.Ltmp0, $4  }
0x7a: {  	p2 =	por p3, p2;
	s15 =	sadd.s32 $0x5380, s14;
	[sflag:s31] =	ssyncadd.s32 $0xFFFFE0C0  }
0x7b: {  	[spmem:s3] =	stream.indirect.scatter.add.f32 [tilespmem:s2], [sflag:$0x8], $0x40, s15, s22, $0xb8;
	[tilespmem:$0x1ECD0] =	vst v63  }
0x7c: {  	s16 =	simm.s32 @!p2 $0x7D;
	s21 =	simm.s32 @!p2 $0x11D00  }
0x7d: {  	[spmem:s4] =	stream.indirect.scatter.add.f32 @!p2 [tilespmem:s21], [sflag:$0x9], $0x10, s15, s16, $0xb8;
	[tilespmem:$0x1ECD0] =	vst v63  }
.Ltmp1:
0x7e: {  	(pc) =	sbr.rel .LBB2_2-.Ltmp1, $4  }
0x7f: {  	_ =	swait.ge [sflag:s20], $0x1F40  }
0x80: {  	s14 =	sadd.s32 $0x480, s14;
	[sflag:s20] =	ssyncset.done $0x0  }
0x81: {  	s12 =	sadd.s32 $0x800, s12;
	s11 =	sadd.s32 $0x4, s11;
	[sflag:s20] =	ssyncadd.s32 $0xFFFFE0C0  }
0x82: {  	[tilespmem:s25], [sflag:$0x2] =	stream.indirect.gather [hbm4b:s6+s22], $0x40, s14, s22, $0xb8;
	[tilespmem:$0x1ECD0] =	vst v63  }
.LBB2_4:
0x83: {  	_ =	swait.ge [sflag:s24], $0x1F40  }
0x84: {  	[sflag:s24] =	ssyncset.done $0x0  }
0x85: {  	[sflag:s24] =	ssyncadd.s32 $0xFFFFE0C0  }
0x86: {  	_ =	swait.ge [sflag:s20], $0x1F40  }
0x87: {  	[sflag:s20] =	ssyncset.done $0x0  }
0x88: {  	[sflag:s20] =	ssyncadd.s32 $0xFFFFE0C0  }
0x89: {  	_ =	swait.ge [sflag:s1], $0x1F40  }
0x8a: {  	[sflag:s1] =	ssyncset.done $0x0  }
0x8b: {  	[sflag:s1] =	ssyncadd.s32 $0xFFFFE0C0  }
0x8c: {  	_ =	swait.ge [sflag:s28], $0x1F40  }
0x8d: {  	[sflag:s28] =	ssyncset.done $0x0  }
0x8e: {  	[sflag:s28] =	ssyncadd.s32 $0xFFFFE0C0  }
0x8f: {  	_ =	swait.ge [sflag:s7], $0x7D0  }
0x90: {  	s11 =	simm.s32 $0x4F;
	[sflag:s7] =	ssyncset.done $0x0  }
.LBB2_5:
0x91: {  	p1 =	sne.s32 s11, $0x1;
	s11 =	sadd.s32 $0xFFFFFFFF, s11;
	[sflag:s7] =	ssyncadd.s32 $0xFFFFF830  }
.Ltmp2:
0x92: {  	(pc) =	sbr.rel @p1 .LBB2_5-.Ltmp2, $3  }
0x93: {  	_ =	sdelay $0x1  }
0x94: {  	_ =	swait.ge [sflag:s7], $0x7D0  }
0x95: {  	[sflag:s7] =	ssyncset.done $0x0  }
0x96: {  	[sflag:s7] =	ssyncadd.s32 $0xFFFFF830  }
0x97: {  	[bflag:$0x0] =	sbarrier.arrive $0xFFFF  }
0x98: {  	s11 =	rddreg [dreg:$0x9]  }
0x99: {  	[hbm:s11], [sflag:s9] =	dma.local [spmem:s17], $0x1400  }
0x9a: {  	_ =	swait.ge [sflag:s18], $0x1400  }
0x9b: {  	[sflag:s18] =	ssyncset.done $0x0  }
0x9c: {  	s16 =	rddreg [dreg:$0xa];
	[sflag:s18] =	ssyncadd.s32 $0xFFFFEC00  }
0x9d: {  	[hbm:s16], [sflag:s9] =	dma.local [spmem:s19], $0x500  }
0x9e: {  	_ =	swait.ge [sflag:s18], $0x500  }
0x9f: {  	s8 =	sadd.s32 $0x1, s8;
	s21 =	rddreg [dreg:$0xb]  }
0xa0: {  	p1 =	sne.s32 s8, s21  }
.Ltmp3:
0xa1: {  	_ = 	snop;
	(pc) =	sbr.rel @p1 .LBB2_1-.Ltmp3, $3  }
0xa2: {  	_ =	sdelay $0x1  }
0xa3: {  	[sflag:s18] =	ssyncset.done $0x0  }
0xa4: {  	[sflag:s18] =	ssyncadd.s32 $0xFFFFFB00  }
0xa5: {  	_ =	sfence.sel $0x180000  }
0xa6: {  	[bflag:$0x0] =	sbarrier.arrive $0xFFFF  }
0xa7: {  	_ =	strace $0x90000047  }
0xa8: {  	s0 =	stileid.u32;
	[bflag:$0x2] =	sbarrier.arrive $0xFFFF  }
0xa9: {  	p0 =	sne.s32 s0, $0x0;
	s0 =	rddreg [dreg:$0x4]  }
0xaa: {  	s0 =	sadd.s32 @!p0 $0x100000, s0  }
0xab: {  	[sflag:s0] =	ssyncadd.tile.s32 @!p0 $0x1;
	_ =	shalt  }
.Lfunc_end2:
_tile_overlayer_lowered:
.L_overlay_start_2:
0xac: {  	(tag) =	ssettag $0x2  }
0xad: {  	s0 =	rddreg [dreg:$0x0];
	s2 =	stileid.u32  }
0xae: {  	s1 =	rddreg [dreg:$0x1];
	p0 =	sne.s32 s2, $0x0  }
0xaf: {  	s3 =	rddreg [dreg:$0x2];
	[bflag:$0x3] =	sbarrier.arrive $0xFFFF;
	s2 =	simm.s32 @!p0 $0x1C0A  }
0xb0: {  	[timem:s3], [sflag:s2] =	dma.local @!p0 [hbm:s0], s1  }
0xb1: {  	s0 =	simm.s32 @!p0 $0xA  }
0xb2: {  	_ =	swait.ge @!p0 [sflag:s0], s1  }
0xb3: {  	s1 =	ssub.s32 @!p0 $0x0, s1;
	[sflag:s0] =	ssyncset.done @!p0 $0x0  }
0xb4: {  	[sflag:s0] =	ssyncadd.s32 @!p0 s1  }
0xb5: {  	[bflag:$0x3] =	sbarrier.arrive $0xFFFF  }
0xb6: {  	_ =	shalt  }

</sc_bundles>
